<compile_context>
chip_gen: v7x
topology: tpu7x:2x2x1
jax: 0.10.2.dev20260603
libtpu: 0.0.44.dev20260713+nightly
codegen_flags: <defaults>
</compile_context>

<pallas_src>
import functools

import jax
import jax.numpy as jnp
from jax import lax
from jax.experimental import pallas as pl
from jax.experimental.pallas import tpu as pltpu
from jax.experimental.pallas import tpu_sc as plsc

_ROW = 128


def _table_body(tok_ref, pos_ref, w_ref, b_ref, out_ref):
    V = tok_ref.shape[0]
    tw = jnp.dot(tok_ref[:], w_ref[:], preferred_element_type=jnp.float32)
    pw = jnp.dot(pos_ref[:], w_ref[:], preferred_element_type=jnp.float32)
    pwb = pw + b_ref[:]
    out_ref[:, :, :V] = pwb[:, None, :] + tw[None, :, :]
    out_ref[:, :, V:] = jnp.zeros_like(out_ref[:, :, V:])


def _build_table(token_table, pos_table, W, b):
    V, E = token_table.shape
    T = pos_table.shape[0]
    return pl.pallas_call(
        _table_body,
        out_shape=jax.ShapeDtypeStruct((T, V, _ROW), jnp.float32),
    )(token_table, pos_table, W, b.reshape(1, V))


def _make_gather(BT, V, T):
    NC, NS, L = 2, 16, 16
    NW = NC * NS
    assert BT % NW == 0
    b_per_w = BT // NW
    CHUNK = 256
    assert b_per_w % CHUNK == 0
    NCH = b_per_w // CHUNK
    mesh = plsc.VectorSubcoreMesh(core_axis_name="c", subcore_axis_name="s")

    @functools.partial(
        pl.kernel,
        mesh=mesh,
        out_type=jax.ShapeDtypeStruct((BT, _ROW), jnp.float32),
        scratch_types=[
            pltpu.VMEM_SHARED((T * V, _ROW), jnp.float32),
            pltpu.VMEM((CHUNK,), jnp.int32),
            pltpu.VMEM((CHUNK,), jnp.int32),
            pltpu.VMEM((CHUNK, _ROW), jnp.float32),
            pltpu.VMEM((CHUNK, _ROW), jnp.float32),
            pltpu.SemaphoreType.DMA,
            pltpu.SemaphoreType.DMA,
            pltpu.SemaphoreType.DMA,
            pltpu.SemaphoreType.DMA,
        ],
    )
    def gather_k(
        table_hbm, idx_hbm, out_hbm, table_sh, idxa, idxb, buf0, buf1, g0, g1, s0, s1
    ):
        sid = lax.axis_index("s")
        wid = sid * NC + lax.axis_index("c")
        base = wid * b_per_w

        @pl.when(sid == 0)
        def _():
            pltpu.sync_copy(table_hbm, table_sh)

        plsc.subcore_barrier()

        offs = (lax.iota(jnp.int32, L) % T) * V
        idxbufs = (idxa, idxb)
        bufs = (buf0, buf1)
        gsems = (g0, g1)
        ssems = (s0, s1)

        def load_idx(c):
            ib = idxbufs[c & 1]
            pltpu.sync_copy(idx_hbm.at[pl.ds(base + c * CHUNK, CHUNK)], ib)

            def add_offs(j, _):
                sl = pl.ds(j * L, L)
                ib[sl] = ib[sl] + offs
                return 0

            lax.fori_loop(0, CHUNK // L, add_offs, 0)

        gd = {}
        sd = {}
        load_idx(0)
        gd[0] = pltpu.async_copy(table_sh.at[idxbufs[0]], bufs[0], gsems[0])
        for c in range(NCH):
            bsel = c & 1
            nsel = (c + 1) & 1
            if c + 1 < NCH:
                load_idx(c + 1)
                if c >= 1:
                    sd[c - 1].wait()
                gd[c + 1] = pltpu.async_copy(
                    table_sh.at[idxbufs[nsel]], bufs[nsel], gsems[nsel]
                )
            gd[c].wait()
            sd[c] = pltpu.async_copy(
                bufs[bsel], out_hbm.at[pl.ds(base + c * CHUNK, CHUNK)], ssems[bsel]
            )
        if NCH >= 2:
            sd[NCH - 2].wait()
        sd[NCH - 1].wait()

    return gather_k


def kernel(idx, token_table, pos_table, W, b):
    B, T = idx.shape
    V = token_table.shape[0]
    BT = B * T

    table = _build_table(token_table, pos_table, W, b).reshape(T * V, _ROW)

    gather_k = _make_gather(BT, V, T)
    idx_flat = idx.reshape(BT).astype(jnp.int32)
    out = gather_k(table, idx_flat)
    return out.reshape(B, T, _ROW)[:, :, :V]

# --- scband reference (transcript-rebuilt; emitter-appended) ---
"""Pipeline reference for scband-bigram-language-model-77103252898383 (READ-ONLY COPY).

The authoritative reference and input builder live on the scoring server;
editing this copy changes nothing except your own understanding.
"""

import jax, jax.numpy as jnp
import numpy as np

VOCAB_SIZE = 65
BLOCK_SIZE = 8
N_EMBED = 32
BATCH = 16384


def setup_inputs(seed: int = 0) -> dict:
    key = jax.random.key(seed)
    k_idx, k_tok, k_pos, k_w, k_b = jax.random.split(key, 5)
    idx = jax.random.randint(k_idx, (BATCH, BLOCK_SIZE), 0, VOCAB_SIZE, dtype=jnp.int64 if jax.config.jax_enable_x64 else jnp.int32)
    token_table = jax.random.normal(k_tok, (VOCAB_SIZE, N_EMBED), dtype=jnp.float32)
    pos_table = jax.random.normal(k_pos, (BLOCK_SIZE, N_EMBED), dtype=jnp.float32)
    W = jax.random.normal(k_w, (N_EMBED, VOCAB_SIZE), dtype=jnp.float32) * (1.0 / np.sqrt(N_EMBED))
    b = jnp.zeros((VOCAB_SIZE,), dtype=jnp.float32)
    return {"idx": idx, "token_table": token_table, "pos_table": pos_table, "W": W, "b": b}


def reference(idx, token_table, pos_table, W, b):
    B, T = idx.shape
    # token embedding lookup: gather rows of the table
    tok_emb = jnp.take(token_table, idx, axis=0)          # [B, T, n_embed]
    # position embedding lookup
    pos_emb = jnp.take(pos_table, jnp.arange(T), axis=0)  # [T, n_embed]
    x = tok_emb + pos_emb[None, :, :]                      # [B, T, n_embed]
    logits = x @ W + b                                     # [B, T, vocab_size]
    return logits

if __name__ == "__main__":
    import jax
    _d = setup_inputs()
    print(jax.jit(kernel)(*tuple(_d.values())))

</pallas_src>

<mosaic_0001>
#map = affine_map<(d0, d1) -> (0, 0)>
#map1 = affine_map<(d0, d1) -> (0)>
module attributes {stable_mosaic.version = 14 : i64} {
  func.func @gather_k(%arg0: i32, %arg1: i32, %arg2: memref<520x128xf32, #tpu.memory_space<hbm>>, %arg3: memref<131072xi32, #tpu.memory_space<hbm>>, %arg4: memref<131072x128xf32, #tpu.memory_space<hbm>>, %arg5: memref<520x128xf32, #tpu.memory_space<vmem_shared>>, %arg6: memref<256xi32, #tpu.memory_space<vmem>>, %arg7: memref<256xi32, #tpu.memory_space<vmem>>, %arg8: memref<256x128xf32, #tpu.memory_space<vmem>>, %arg9: memref<256x128xf32, #tpu.memory_space<vmem>>, %arg10: memref<!tpu.dma_semaphore, #tpu.memory_space<semaphore_mem>>, %arg11: memref<!tpu.dma_semaphore, #tpu.memory_space<semaphore_mem>>, %arg12: memref<!tpu.dma_semaphore, #tpu.memory_space<semaphore_mem>>, %arg13: memref<!tpu.dma_semaphore, #tpu.memory_space<semaphore_mem>>) attributes {dimension_semantics = [#tpu.dimension_semantics<core_parallel>, #tpu.dimension_semantics<subcore_parallel>], iteration_bounds = array<i64: 2, 16>, scalar_prefetch = 0 : i64, scratch_operands = 9 : i64, tpu.core_type = #tpu.core_type<sc_vector_subcore>, window_params = [{transform_indices = #map}, {transform_indices = #map1}, {transform_indices = #map}]} {
    %mul3A = arith.constant 2 : i32
    %mul3A_0 = arith.muli %arg1, %mul3A : i32
    %add3A = arith.addi %mul3A_0, %arg0 : i32
    %mul3A_1 = arith.constant 4096 : i32
    %mul3A_2 = arith.muli %add3A, %mul3A_1 : i32
    %eq3A = arith.constant 0 : i32
    %eq3A_3 = arith.cmpi eq, %arg1, %eq3A : i32
    %convert_element_type3A = arith.extui %eq3A_3 : i1 to i32
    %cond3A = arith.constant 0 : i32
    %cond3A_4 = arith.cmpi ne, %convert_element_type3A, %cond3A : i32
    scf.if %cond3A_4 {
      "tpu.region"() ({
        %run_scoped3A = tpu.sem_alloc : memref<!tpu.dma_semaphore, #tpu.memory_space<semaphore_mem>>
        tpu.enqueue_dma source(%arg2 : memref<520x128xf32, #tpu.memory_space<hbm>>) target(%arg5 : memref<520x128xf32, #tpu.memory_space<vmem_shared>>) target_semaphore(%run_scoped3A : memref<!tpu.dma_semaphore, #tpu.memory_space<semaphore_mem>>)
        tpu.wait_dma2 semaphore(%run_scoped3A : memref<!tpu.dma_semaphore, #tpu.memory_space<semaphore_mem>>) src(%arg2 : memref<520x128xf32, #tpu.memory_space<hbm>>) dst(%arg5 : memref<520x128xf32, #tpu.memory_space<vmem_shared>>)
        tpu.yield
      }) : () -> ()
    } else {
    }
    %barrier3A = arith.constant 0 : index
    tpu.barrier barrier_id(%barrier3A)
    %iota3A = tpu.iota {dimensions = array<i32: 0>} : vector<16xi32>
    %jit3A = arith.constant 8 : i32
    %eq3A_5 = arith.constant 0 : i32
    %eq3A_6 = arith.cmpi eq, %jit3A, %eq3A_5 : i32
    %jit3A_7 = arith.constant 1 : i32
    %select_n3A = arith.select %eq3A_6, %jit3A_7, %jit3A : i32
    %rem3A = vector.broadcast %select_n3A : i32 to vector<16xi32>
    %rem3A_8 = arith.remsi %iota3A, %rem3A : vector<16xi32>
    %ne3A = arith.constant 0 : i32
    %ne3A_9 = vector.broadcast %ne3A : i32 to vector<16xi32>
    %ne3A_10 = arith.cmpi ne, %rem3A_8, %ne3A_9 : vector<16xi32>
    %lt3A = arith.constant 0 : i32
    %lt3A_11 = vector.broadcast %lt3A : i32 to vector<16xi32>
    %lt3A_12 = arith.cmpi slt, %rem3A_8, %lt3A_11 : vector<16xi32>
    %lt3A_13 = arith.constant 0 : i32
    %lt3A_14 = arith.cmpi slt, %select_n3A, %lt3A_13 : i32
    %ne3A_15 = vector.broadcast %lt3A_14 : i1 to vector<16xi1>
    %ne3A_16 = vector.broadcast %ne3A_15 : vector<16xi1> to vector<16xi1>
    %ne3A_17 = arith.xori %lt3A_12, %ne3A_16 : vector<16xi1>
    %and3A = arith.andi %ne3A_17, %ne3A_10 : vector<16xi1>
    %add3A_18 = vector.broadcast %select_n3A : i32 to vector<16xi32>
    %add3A_19 = arith.addi %rem3A_8, %add3A_18 : vector<16xi32>
    %select_n3A_20 = arith.select %and3A, %add3A_19, %rem3A_8 : vector<16xi1>, vector<16xi32>
    %mul3A_21 = arith.constant 65 : i32
    %mul3A_22 = vector.broadcast %mul3A_21 : i32 to vector<16xi32>
    %mul3A_23 = arith.muli %select_n3A_20, %mul3A_22 : vector<16xi32>
    %add3A_24 = arith.constant 0 : i32
    %add3A_25 = arith.addi %mul3A_2, %add3A_24 : i32
    "tpu.region"() ({
      %run_scoped3A = tpu.sem_alloc : memref<!tpu.dma_semaphore, #tpu.memory_space<semaphore_mem>>
      %dma_start3A_421 = tpu.memref_slice %arg3[%add3A_25] : memref<131072xi32, #tpu.memory_space<hbm>> -> memref<256xi32, #tpu.memory_space<hbm>>
      %dma_start3A_422 = tpu.memref_slice %arg3[%add3A_25] : memref<131072xi32, #tpu.memory_space<hbm>> -> memref<256xi32, #tpu.memory_space<hbm>>
      tpu.enqueue_dma source(%dma_start3A_422 : memref<256xi32, #tpu.memory_space<hbm>>) target(%arg6 : memref<256xi32, #tpu.memory_space<vmem>>) target_semaphore(%run_scoped3A : memref<!tpu.dma_semaphore, #tpu.memory_space<semaphore_mem>>)
      %dma_wait3A_423 = tpu.memref_slice %arg3[%add3A_25] : memref<131072xi32, #tpu.memory_space<hbm>> -> memref<256xi32, #tpu.memory_space<hbm>>
      %dma_wait3A_424 = tpu.memref_slice %arg3[%add3A_25] : memref<131072xi32, #tpu.memory_space<hbm>> -> memref<256xi32, #tpu.memory_space<hbm>>
      tpu.wait_dma2 semaphore(%run_scoped3A : memref<!tpu.dma_semaphore, #tpu.memory_space<semaphore_mem>>) src(%dma_wait3A_424 : memref<256xi32, #tpu.memory_space<hbm>>) dst(%arg6 : memref<256xi32, #tpu.memory_space<vmem>>)
      tpu.yield
    }) : () -> ()
    %scan3A = arith.constant 0 : i32
    %scan3A_26 = arith.constant 0 : i32
    %scan3A_27 = arith.constant 16 : i32
    %scan3A_28 = arith.addi %scan3A_26, %scan3A_27 : i32
    %scan3A_29 = arith.constant 1 : i32
    %scan3A_30 = scf.for %scan3A_421 = %scan3A_26 to %scan3A_28 step %scan3A_29 iter_args(%scan3A_422 = %scan3A) -> (i32)  : i32 {
      %mul3A_423 = arith.constant 16 : i32
      %mul3A_424 = arith.muli %scan3A_421, %mul3A_423 : i32
      %get3A = arith.index_cast %mul3A_424 : i32 to index
      %get3A_425 = tpu.vector_load %arg6[%get3A] {strides = array<i32>} : memref<256xi32, #tpu.memory_space<vmem>>, vector<16xi32>,
      %get3A_426 = vector.shape_cast %get3A_425 : vector<16xi32> to vector<16xi32>
      %add3A_427 = arith.addi %get3A_426, %mul3A_23 : vector<16xi32>
      %swap3A = arith.index_cast %mul3A_424 : i32 to index
      %swap3A_428 = tpu.vector_load %arg6[%swap3A] {strides = array<i32>} : memref<256xi32, #tpu.memory_space<vmem>>, vector<16xi32>,
      %swap3A_429 = vector.shape_cast %swap3A_428 : vector<16xi32> to vector<16xi32>
      %swap3A_430 = vector.shape_cast %add3A_427 : vector<16xi32> to vector<16xi32>
      tpu.vector_store %arg6[%swap3A], %swap3A_430 {strides = array<i32>} : memref<256xi32, #tpu.memory_space<vmem>>, vector<16xi32>,
      %scan3A_431 = arith.constant 0 : i32
      scf.yield %scan3A_431 : i32
    }
    %scan3A_31 = arith.constant 16 : i32
    %dma_start3A = arith.constant 0 : i32
    %dma_start3A_32 = arith.constant 0 : i32
    %dma_start3A_33 = tpu.memref_slice %arg5[%dma_start3A, %dma_start3A_32] : memref<520x128xf32, #tpu.memory_space<vmem_shared>> -> memref<520x128xf32, #tpu.memory_space<vmem_shared>>
    tpu.enqueue_indirect_dma source(%dma_start3A_33 : memref<520x128xf32, #tpu.memory_space<vmem_shared>>) target(%arg8 : memref<256x128xf32, #tpu.memory_space<vmem>>) offsets(%arg6 : memref<256xi32, #tpu.memory_space<vmem>>) semaphore(%arg10 : memref<!tpu.dma_semaphore, #tpu.memory_space<semaphore_mem>>)
    %add3A_34 = arith.constant 256 : i32
    %add3A_35 = arith.addi %mul3A_2, %add3A_34 : i32
    "tpu.region"() ({
      %run_scoped3A = tpu.sem_alloc : memref<!tpu.dma_semaphore, #tpu.memory_space<semaphore_mem>>
      %dma_start3A_421 = tpu.memref_slice %arg3[%add3A_35] : memref<131072xi32, #tpu.memory_space<hbm>> -> memref<256xi32, #tpu.memory_space<hbm>>
      %dma_start3A_422 = tpu.memref_slice %arg3[%add3A_35] : memref<131072xi32, #tpu.memory_space<hbm>> -> memref<256xi32, #tpu.memory_space<hbm>>
      tpu.enqueue_dma source(%dma_start3A_422 : memref<256xi32, #tpu.memory_space<hbm>>) target(%arg7 : memref<256xi32, #tpu.memory_space<vmem>>) target_semaphore(%run_scoped3A : memref<!tpu.dma_semaphore, #tpu.memory_space<semaphore_mem>>)
      %dma_wait3A_423 = tpu.memref_slice %arg3[%add3A_35] : memref<131072xi32, #tpu.memory_space<hbm>> -> memref<256xi32, #tpu.memory_space<hbm>>
      %dma_wait3A_424 = tpu.memref_slice %arg3[%add3A_35] : memref<131072xi32, #tpu.memory_space<hbm>> -> memref<256xi32, #tpu.memory_space<hbm>>
      tpu.wait_dma2 semaphore(%run_scoped3A : memref<!tpu.dma_semaphore, #tpu.memory_space<semaphore_mem>>) src(%dma_wait3A_424 : memref<256xi32, #tpu.memory_space<hbm>>) dst(%arg7 : memref<256xi32, #tpu.memory_space<vmem>>)
      tpu.yield
    }) : () -> ()
    %scan3A_36 = arith.constant 0 : i32
    %scan3A_37 = arith.constant 0 : i32
    %scan3A_38 = arith.constant 16 : i32
    %scan3A_39 = arith.addi %scan3A_37, %scan3A_38 : i32
    %scan3A_40 = arith.constant 1 : i32
    %scan3A_41 = scf.for %scan3A_421 = %scan3A_37 to %scan3A_39 step %scan3A_40 iter_args(%scan3A_422 = %scan3A_36) -> (i32)  : i32 {
      %mul3A_423 = arith.constant 16 : i32
      %mul3A_424 = arith.muli %scan3A_421, %mul3A_423 : i32
      %get3A = arith.index_cast %mul3A_424 : i32 to index
      %get3A_425 = tpu.vector_load %arg7[%get3A] {strides = array<i32>} : memref<256xi32, #tpu.memory_space<vmem>>, vector<16xi32>,
      %get3A_426 = vector.shape_cast %get3A_425 : vector<16xi32> to vector<16xi32>
      %add3A_427 = arith.addi %get3A_426, %mul3A_23 : vector<16xi32>
      %swap3A = arith.index_cast %mul3A_424 : i32 to index
      %swap3A_428 = tpu.vector_load %arg7[%swap3A] {strides = array<i32>} : memref<256xi32, #tpu.memory_space<vmem>>, vector<16xi32>,
      %swap3A_429 = vector.shape_cast %swap3A_428 : vector<16xi32> to vector<16xi32>
      %swap3A_430 = vector.shape_cast %add3A_427 : vector<16xi32> to vector<16xi32>
      tpu.vector_store %arg7[%swap3A], %swap3A_430 {strides = array<i32>} : memref<256xi32, #tpu.memory_space<vmem>>, vector<16xi32>,
      %scan3A_431 = arith.constant 0 : i32
      scf.yield %scan3A_431 : i32
    }
    %scan3A_42 = arith.constant 16 : i32
    %dma_start3A_43 = arith.constant 0 : i32
    %dma_start3A_44 = arith.constant 0 : i32
    %dma_start3A_45 = tpu.memref_slice %arg5[%dma_start3A_43, %dma_start3A_44] : memref<520x128xf32, #tpu.memory_space<vmem_shared>> -> memref<520x128xf32, #tpu.memory_space<vmem_shared>>
    tpu.enqueue_indirect_dma source(%dma_start3A_45 : memref<520x128xf32, #tpu.memory_space<vmem_shared>>) target(%arg9 : memref<256x128xf32, #tpu.memory_space<vmem>>) offsets(%arg7 : memref<256xi32, #tpu.memory_space<vmem>>) semaphore(%arg11 : memref<!tpu.dma_semaphore, #tpu.memory_space<semaphore_mem>>)
    %dma_wait3A = arith.constant 0 : i32
    %dma_wait3A_46 = arith.constant 0 : i32
    %dma_wait3A_47 = tpu.memref_slice %arg5[%dma_wait3A, %dma_wait3A_46] : memref<520x128xf32, #tpu.memory_space<vmem_shared>> -> memref<520x128xf32, #tpu.memory_space<vmem_shared>>
    tpu.wait_indirect_dma semaphore(%arg10 : memref<!tpu.dma_semaphore, #tpu.memory_space<semaphore_mem>>) src(%dma_wait3A_47 : memref<520x128xf32, #tpu.memory_space<vmem_shared>>) dst(%arg8 : memref<256x128xf32, #tpu.memory_space<vmem>>)
    %add3A_48 = arith.constant 0 : i32
    %add3A_49 = arith.addi %mul3A_2, %add3A_48 : i32
    %dma_start3A_50 = arith.constant 0 : i32
    %dma_start3A_51 = tpu.memref_slice %arg4[%add3A_49, %dma_start3A_50] : memref<131072x128xf32, #tpu.memory_space<hbm>> -> memref<256x128xf32, #tpu.memory_space<hbm>>
    %dma_start3A_52 = arith.constant 0 : i32
    %dma_start3A_53 = tpu.memref_slice %arg4[%add3A_49, %dma_start3A_52] : memref<131072x128xf32, #tpu.memory_space<hbm>> -> memref<256x128xf32, #tpu.memory_space<hbm>>
    tpu.enqueue_dma source(%arg8 : memref<256x128xf32, #tpu.memory_space<vmem>>) target(%dma_start3A_53 : memref<256x128xf32, #tpu.memory_space<hbm>>) target_semaphore(%arg12 : memref<!tpu.dma_semaphore, #tpu.memory_space<semaphore_mem>>)
    %add3A_54 = arith.constant 512 : i32
    %add3A_55 = arith.addi %mul3A_2, %add3A_54 : i32
    "tpu.region"() ({
      %run_scoped3A = tpu.sem_alloc : memref<!tpu.dma_semaphore, #tpu.memory_space<semaphore_mem>>
      %dma_start3A_421 = tpu.memref_slice %arg3[%add3A_55] : memref<131072xi32, #tpu.memory_space<hbm>> -> memref<256xi32, #tpu.memory_space<hbm>>
      %dma_start3A_422 = tpu.memref_slice %arg3[%add3A_55] : memref<131072xi32, #tpu.memory_space<hbm>> -> memref<256xi32, #tpu.memory_space<hbm>>
      tpu.enqueue_dma source(%dma_start3A_422 : memref<256xi32, #tpu.memory_space<hbm>>) target(%arg6 : memref<256xi32, #tpu.memory_space<vmem>>) target_semaphore(%run_scoped3A : memref<!tpu.dma_semaphore, #tpu.memory_space<semaphore_mem>>)
      %dma_wait3A_423 = tpu.memref_slice %arg3[%add3A_55] : memref<131072xi32, #tpu.memory_space<hbm>> -> memref<256xi32, #tpu.memory_space<hbm>>
      %dma_wait3A_424 = tpu.memref_slice %arg3[%add3A_55] : memref<131072xi32, #tpu.memory_space<hbm>> -> memref<256xi32, #tpu.memory_space<hbm>>
      tpu.wait_dma2 semaphore(%run_scoped3A : memref<!tpu.dma_semaphore, #tpu.memory_space<semaphore_mem>>) src(%dma_wait3A_424 : memref<256xi32, #tpu.memory_space<hbm>>) dst(%arg6 : memref<256xi32, #tpu.memory_space<vmem>>)
      tpu.yield
    }) : () -> ()
    %scan3A_56 = arith.constant 0 : i32
    %scan3A_57 = arith.constant 0 : i32
    %scan3A_58 = arith.constant 16 : i32
    %scan3A_59 = arith.addi %scan3A_57, %scan3A_58 : i32
    %scan3A_60 = arith.constant 1 : i32
    %scan3A_61 = scf.for %scan3A_421 = %scan3A_57 to %scan3A_59 step %scan3A_60 iter_args(%scan3A_422 = %scan3A_56) -> (i32)  : i32 {
      %mul3A_423 = arith.constant 16 : i32
      %mul3A_424 = arith.muli %scan3A_421, %mul3A_423 : i32
      %get3A = arith.index_cast %mul3A_424 : i32 to index
      %get3A_425 = tpu.vector_load %arg6[%get3A] {strides = array<i32>} : memref<256xi32, #tpu.memory_space<vmem>>, vector<16xi32>,
      %get3A_426 = vector.shape_cast %get3A_425 : vector<16xi32> to vector<16xi32>
      %add3A_427 = arith.addi %get3A_426, %mul3A_23 : vector<16xi32>
      %swap3A = arith.index_cast %mul3A_424 : i32 to index
      %swap3A_428 = tpu.vector_load %arg6[%swap3A] {strides = array<i32>} : memref<256xi32, #tpu.memory_space<vmem>>, vector<16xi32>,
      %swap3A_429 = vector.shape_cast %swap3A_428 : vector<16xi32> to vector<16xi32>
      %swap3A_430 = vector.shape_cast %add3A_427 : vector<16xi32> to vector<16xi32>
      tpu.vector_store %arg6[%swap3A], %swap3A_430 {strides = array<i32>} : memref<256xi32, #tpu.memory_space<vmem>>, vector<16xi32>,
      %scan3A_431 = arith.constant 0 : i32
      scf.yield %scan3A_431 : i32
    }
    %scan3A_62 = arith.constant 16 : i32
    %dma_wait3A_63 = arith.constant 0 : i32
    %dma_wait3A_64 = tpu.memref_slice %arg4[%add3A_49, %dma_wait3A_63] : memref<131072x128xf32, #tpu.memory_space<hbm>> -> memref<256x128xf32, #tpu.memory_space<hbm>>
    %dma_wait3A_65 = arith.constant 0 : i32
    %dma_wait3A_66 = tpu.memref_slice %arg4[%add3A_49, %dma_wait3A_65] : memref<131072x128xf32, #tpu.memory_space<hbm>> -> memref<256x128xf32, #tpu.memory_space<hbm>>
    tpu.wait_dma2 semaphore(%arg12 : memref<!tpu.dma_semaphore, #tpu.memory_space<semaphore_mem>>) src(%arg8 : memref<256x128xf32, #tpu.memory_space<vmem>>) dst(%dma_wait3A_66 : memref<256x128xf32, #tpu.memory_space<hbm>>)
    %dma_start3A_67 = arith.constant 0 : i32
    %dma_start3A_68 = arith.constant 0 : i32
    %dma_start3A_69 = tpu.memref_slice %arg5[%dma_start3A_67, %dma_start3A_68] : memref<520x128xf32, #tpu.memory_space<vmem_shared>> -> memref<520x128xf32, #tpu.memory_space<vmem_shared>>
    tpu.enqueue_indirect_dma source(%dma_start3A_69 : memref<520x128xf32, #tpu.memory_space<vmem_shared>>) target(%arg8 : memref<256x128xf32, #tpu.memory_space<vmem>>) offsets(%arg6 : memref<256xi32, #tpu.memory_space<vmem>>) semaphore(%arg10 : memref<!tpu.dma_semaphore, #tpu.memory_space<semaphore_mem>>)
    %dma_wait3A_70 = arith.constant 0 : i32
    %dma_wait3A_71 = arith.constant 0 : i32
    %dma_wait3A_72 = tpu.memref_slice %arg5[%dma_wait3A_70, %dma_wait3A_71] : memref<520x128xf32, #tpu.memory_space<vmem_shared>> -> memref<520x128xf32, #tpu.memory_space<vmem_shared>>
    tpu.wait_indirect_dma semaphore(%arg11 : memref<!tpu.dma_semaphore, #tpu.memory_space<semaphore_mem>>) src(%dma_wait3A_72 : memref<520x128xf32, #tpu.memory_space<vmem_shared>>) dst(%arg9 : memref<256x128xf32, #tpu.memory_space<vmem>>)
    %add3A_73 = arith.constant 256 : i32
    %add3A_74 = arith.addi %mul3A_2, %add3A_73 : i32
    %dma_start3A_75 = arith.constant 0 : i32
    %dma_start3A_76 = tpu.memref_slice %arg4[%add3A_74, %dma_start3A_75] : memref<131072x128xf32, #tpu.memory_space<hbm>> -> memref<256x128xf32, #tpu.memory_space<hbm>>
    %dma_start3A_77 = arith.constant 0 : i32
    %dma_start3A_78 = tpu.memref_slice %arg4[%add3A_74, %dma_start3A_77] : memref<131072x128xf32, #tpu.memory_space<hbm>> -> memref<256x128xf32, #tpu.memory_space<hbm>>
    tpu.enqueue_dma source(%arg9 : memref<256x128xf32, #tpu.memory_space<vmem>>) target(%dma_start3A_78 : memref<256x128xf32, #tpu.memory_space<hbm>>) target_semaphore(%arg13 : memref<!tpu.dma_semaphore, #tpu.memory_space<semaphore_mem>>)
    %add3A_79 = arith.constant 768 : i32
    %add3A_80 = arith.addi %mul3A_2, %add3A_79 : i32
    "tpu.region"() ({
      %run_scoped3A = tpu.sem_alloc : memref<!tpu.dma_semaphore, #tpu.memory_space<semaphore_mem>>
      %dma_start3A_421 = tpu.memref_slice %arg3[%add3A_80] : memref<131072xi32, #tpu.memory_space<hbm>> -> memref<256xi32, #tpu.memory_space<hbm>>
      %dma_start3A_422 = tpu.memref_slice %arg3[%add3A_80] : memref<131072xi32, #tpu.memory_space<hbm>> -> memref<256xi32, #tpu.memory_space<hbm>>
      tpu.enqueue_dma source(%dma_start3A_422 : memref<256xi32, #tpu.memory_space<hbm>>) target(%arg7 : memref<256xi32, #tpu.memory_space<vmem>>) target_semaphore(%run_scoped3A : memref<!tpu.dma_semaphore, #tpu.memory_space<semaphore_mem>>)
      %dma_wait3A_423 = tpu.memref_slice %arg3[%add3A_80] : memref<131072xi32, #tpu.memory_space<hbm>> -> memref<256xi32, #tpu.memory_space<hbm>>
      %dma_wait3A_424 = tpu.memref_slice %arg3[%add3A_80] : memref<131072xi32, #tpu.memory_space<hbm>> -> memref<256xi32, #tpu.memory_space<hbm>>
      tpu.wait_dma2 semaphore(%run_scoped3A : memref<!tpu.dma_semaphore, #tpu.memory_space<semaphore_mem>>) src(%dma_wait3A_424 : memref<256xi32, #tpu.memory_space<hbm>>) dst(%arg7 : memref<256xi32, #tpu.memory_space<vmem>>)
      tpu.yield
    }) : () -> ()
    %scan3A_81 = arith.constant 0 : i32
    %scan3A_82 = arith.constant 0 : i32
    %scan3A_83 = arith.constant 16 : i32
    %scan3A_84 = arith.addi %scan3A_82, %scan3A_83 : i32
    %scan3A_85 = arith.constant 1 : i32
    %scan3A_86 = scf.for %scan3A_421 = %scan3A_82 to %scan3A_84 step %scan3A_85 iter_args(%scan3A_422 = %scan3A_81) -> (i32)  : i32 {
      %mul3A_423 = arith.constant 16 : i32
      %mul3A_424 = arith.muli %scan3A_421, %mul3A_423 : i32
      %get3A = arith.index_cast %mul3A_424 : i32 to index
      %get3A_425 = tpu.vector_load %arg7[%get3A] {strides = array<i32>} : memref<256xi32, #tpu.memory_space<vmem>>, vector<16xi32>,
      %get3A_426 = vector.shape_cast %get3A_425 : vector<16xi32> to vector<16xi32>
      %add3A_427 = arith.addi %get3A_426, %mul3A_23 : vector<16xi32>
      %swap3A = arith.index_cast %mul3A_424 : i32 to index
      %swap3A_428 = tpu.vector_load %arg7[%swap3A] {strides = array<i32>} : memref<256xi32, #tpu.memory_space<vmem>>, vector<16xi32>,
      %swap3A_429 = vector.shape_cast %swap3A_428 : vector<16xi32> to vector<16xi32>
      %swap3A_430 = vector.shape_cast %add3A_427 : vector<16xi32> to vector<16xi32>
      tpu.vector_store %arg7[%swap3A], %swap3A_430 {strides = array<i32>} : memref<256xi32, #tpu.memory_space<vmem>>, vector<16xi32>,
      %scan3A_431 = arith.constant 0 : i32
      scf.yield %scan3A_431 : i32
    }
    %scan3A_87 = arith.constant 16 : i32
    %dma_wait3A_88 = arith.constant 0 : i32
    %dma_wait3A_89 = tpu.memref_slice %arg4[%add3A_74, %dma_wait3A_88] : memref<131072x128xf32, #tpu.memory_space<hbm>> -> memref<256x128xf32, #tpu.memory_space<hbm>>
    %dma_wait3A_90 = arith.constant 0 : i32
    %dma_wait3A_91 = tpu.memref_slice %arg4[%add3A_74, %dma_wait3A_90] : memref<131072x128xf32, #tpu.memory_space<hbm>> -> memref<256x128xf32, #tpu.memory_space<hbm>>
    tpu.wait_dma2 semaphore(%arg13 : memref<!tpu.dma_semaphore, #tpu.memory_space<semaphore_mem>>) src(%arg9 : memref<256x128xf32, #tpu.memory_space<vmem>>) dst(%dma_wait3A_91 : memref<256x128xf32, #tpu.memory_space<hbm>>)
    %dma_start3A_92 = arith.constant 0 : i32
    %dma_start3A_93 = arith.constant 0 : i32
    %dma_start3A_94 = tpu.memref_slice %arg5[%dma_start3A_92, %dma_start3A_93] : memref<520x128xf32, #tpu.memory_space<vmem_shared>> -> memref<520x128xf32, #tpu.memory_space<vmem_shared>>
    tpu.enqueue_indirect_dma source(%dma_start3A_94 : memref<520x128xf32, #tpu.memory_space<vmem_shared>>) target(%arg9 : memref<256x128xf32, #tpu.memory_space<vmem>>) offsets(%arg7 : memref<256xi32, #tpu.memory_space<vmem>>) semaphore(%arg11 : memref<!tpu.dma_semaphore, #tpu.memory_space<semaphore_mem>>)
    %dma_wait3A_95 = arith.constant 0 : i32
    %dma_wait3A_96 = arith.constant 0 : i32
    %dma_wait3A_97 = tpu.memref_slice %arg5[%dma_wait3A_95, %dma_wait3A_96] : memref<520x128xf32, #tpu.memory_space<vmem_shared>> -> memref<520x128xf32, #tpu.memory_space<vmem_shared>>
    tpu.wait_indirect_dma semaphore(%arg10 : memref<!tpu.dma_semaphore, #tpu.memory_space<semaphore_mem>>) src(%dma_wait3A_97 : memref<520x128xf32, #tpu.memory_space<vmem_shared>>) dst(%arg8 : memref<256x128xf32, #tpu.memory_space<vmem>>)
    %add3A_98 = arith.constant 512 : i32
    %add3A_99 = arith.addi %mul3A_2, %add3A_98 : i32
    %dma_start3A_100 = arith.constant 0 : i32
    %dma_start3A_101 = tpu.memref_slice %arg4[%add3A_99, %dma_start3A_100] : memref<131072x128xf32, #tpu.memory_space<hbm>> -> memref<256x128xf32, #tpu.memory_space<hbm>>
    %dma_start3A_102 = arith.constant 0 : i32
    %dma_start3A_103 = tpu.memref_slice %arg4[%add3A_99, %dma_start3A_102] : memref<131072x128xf32, #tpu.memory_space<hbm>> -> memref<256x128xf32, #tpu.memory_space<hbm>>
    tpu.enqueue_dma source(%arg8 : memref<256x128xf32, #tpu.memory_space<vmem>>) target(%dma_start3A_103 : memref<256x128xf32, #tpu.memory_space<hbm>>) target_semaphore(%arg12 : memref<!tpu.dma_semaphore, #tpu.memory_space<semaphore_mem>>)
    %add3A_104 = arith.constant 1024 : i32
    %add3A_105 = arith.addi %mul3A_2, %add3A_104 : i32
    "tpu.region"() ({
      %run_scoped3A = tpu.sem_alloc : memref<!tpu.dma_semaphore, #tpu.memory_space<semaphore_mem>>
      %dma_start3A_421 = tpu.memref_slice %arg3[%add3A_105] : memref<131072xi32, #tpu.memory_space<hbm>> -> memref<256xi32, #tpu.memory_space<hbm>>
      %dma_start3A_422 = tpu.memref_slice %arg3[%add3A_105] : memref<131072xi32, #tpu.memory_space<hbm>> -> memref<256xi32, #tpu.memory_space<hbm>>
      tpu.enqueue_dma source(%dma_start3A_422 : memref<256xi32, #tpu.memory_space<hbm>>) target(%arg6 : memref<256xi32, #tpu.memory_space<vmem>>) target_semaphore(%run_scoped3A : memref<!tpu.dma_semaphore, #tpu.memory_space<semaphore_mem>>)
      %dma_wait3A_423 = tpu.memref_slice %arg3[%add3A_105] : memref<131072xi32, #tpu.memory_space<hbm>> -> memref<256xi32, #tpu.memory_space<hbm>>
      %dma_wait3A_424 = tpu.memref_slice %arg3[%add3A_105] : memref<131072xi32, #tpu.memory_space<hbm>> -> memref<256xi32, #tpu.memory_space<hbm>>
      tpu.wait_dma2 semaphore(%run_scoped3A : memref<!tpu.dma_semaphore, #tpu.memory_space<semaphore_mem>>) src(%dma_wait3A_424 : memref<256xi32, #tpu.memory_space<hbm>>) dst(%arg6 : memref<256xi32, #tpu.memory_space<vmem>>)
      tpu.yield
    }) : () -> ()
    %scan3A_106 = arith.constant 0 : i32
    %scan3A_107 = arith.constant 0 : i32
    %scan3A_108 = arith.constant 16 : i32
    %scan3A_109 = arith.addi %scan3A_107, %scan3A_108 : i32
    %scan3A_110 = arith.constant 1 : i32
    %scan3A_111 = scf.for %scan3A_421 = %scan3A_107 to %scan3A_109 step %scan3A_110 iter_args(%scan3A_422 = %scan3A_106) -> (i32)  : i32 {
      %mul3A_423 = arith.constant 16 : i32
      %mul3A_424 = arith.muli %scan3A_421, %mul3A_423 : i32
      %get3A = arith.index_cast %mul3A_424 : i32 to index
      %get3A_425 = tpu.vector_load %arg6[%get3A] {strides = array<i32>} : memref<256xi32, #tpu.memory_space<vmem>>, vector<16xi32>,
      %get3A_426 = vector.shape_cast %get3A_425 : vector<16xi32> to vector<16xi32>
      %add3A_427 = arith.addi %get3A_426, %mul3A_23 : vector<16xi32>
      %swap3A = arith.index_cast %mul3A_424 : i32 to index
      %swap3A_428 = tpu.vector_load %arg6[%swap3A] {strides = array<i32>} : memref<256xi32, #tpu.memory_space<vmem>>, vector<16xi32>,
      %swap3A_429 = vector.shape_cast %swap3A_428 : vector<16xi32> to vector<16xi32>
      %swap3A_430 = vector.shape_cast %add3A_427 : vector<16xi32> to vector<16xi32>
      tpu.vector_store %arg6[%swap3A], %swap3A_430 {strides = array<i32>} : memref<256xi32, #tpu.memory_space<vmem>>, vector<16xi32>,
      %scan3A_431 = arith.constant 0 : i32
      scf.yield %scan3A_431 : i32
    }
    %scan3A_112 = arith.constant 16 : i32
    %dma_wait3A_113 = arith.constant 0 : i32
    %dma_wait3A_114 = tpu.memref_slice %arg4[%add3A_99, %dma_wait3A_113] : memref<131072x128xf32, #tpu.memory_space<hbm>> -> memref<256x128xf32, #tpu.memory_space<hbm>>
    %dma_wait3A_115 = arith.constant 0 : i32
    %dma_wait3A_116 = tpu.memref_slice %arg4[%add3A_99, %dma_wait3A_115] : memref<131072x128xf32, #tpu.memory_space<hbm>> -> memref<256x128xf32, #tpu.memory_space<hbm>>
    tpu.wait_dma2 semaphore(%arg12 : memref<!tpu.dma_semaphore, #tpu.memory_space<semaphore_mem>>) src(%arg8 : memref<256x128xf32, #tpu.memory_space<vmem>>) dst(%dma_wait3A_116 : memref<256x128xf32, #tpu.memory_space<hbm>>)
    %dma_start3A_117 = arith.constant 0 : i32
    %dma_start3A_118 = arith.constant 0 : i32
    %dma_start3A_119 = tpu.memref_slice %arg5[%dma_start3A_117, %dma_start3A_118] : memref<520x128xf32, #tpu.memory_space<vmem_shared>> -> memref<520x128xf32, #tpu.memory_space<vmem_shared>>
    tpu.enqueue_indirect_dma source(%dma_start3A_119 : memref<520x128xf32, #tpu.memory_space<vmem_shared>>) target(%arg8 : memref<256x128xf32, #tpu.memory_space<vmem>>) offsets(%arg6 : memref<256xi32, #tpu.memory_space<vmem>>) semaphore(%arg10 : memref<!tpu.dma_semaphore, #tpu.memory_space<semaphore_mem>>)
    %dma_wait3A_120 = arith.constant 0 : i32
    %dma_wait3A_121 = arith.constant 0 : i32
    %dma_wait3A_122 = tpu.memref_slice %arg5[%dma_wait3A_120, %dma_wait3A_121] : memref<520x128xf32, #tpu.memory_space<vmem_shared>> -> memref<520x128xf32, #tpu.memory_space<vmem_shared>>
    tpu.wait_indirect_dma semaphore(%arg11 : memref<!tpu.dma_semaphore, #tpu.memory_space<semaphore_mem>>) src(%dma_wait3A_122 : memref<520x128xf32, #tpu.memory_space<vmem_shared>>) dst(%arg9 : memref<256x128xf32, #tpu.memory_space<vmem>>)
    %add3A_123 = arith.constant 768 : i32
    %add3A_124 = arith.addi %mul3A_2, %add3A_123 : i32
    %dma_start3A_125 = arith.constant 0 : i32
    %dma_start3A_126 = tpu.memref_slice %arg4[%add3A_124, %dma_start3A_125] : memref<131072x128xf32, #tpu.memory_space<hbm>> -> memref<256x128xf32, #tpu.memory_space<hbm>>
    %dma_start3A_127 = arith.constant 0 : i32
    %dma_start3A_128 = tpu.memref_slice %arg4[%add3A_124, %dma_start3A_127] : memref<131072x128xf32, #tpu.memory_space<hbm>> -> memref<256x128xf32, #tpu.memory_space<hbm>>
    tpu.enqueue_dma source(%arg9 : memref<256x128xf32, #tpu.memory_space<vmem>>) target(%dma_start3A_128 : memref<256x128xf32, #tpu.memory_space<hbm>>) target_semaphore(%arg13 : memref<!tpu.dma_semaphore, #tpu.memory_space<semaphore_mem>>)
    %add3A_129 = arith.constant 1280 : i32
    %add3A_130 = arith.addi %mul3A_2, %add3A_129 : i32
    "tpu.region"() ({
      %run_scoped3A = tpu.sem_alloc : memref<!tpu.dma_semaphore, #tpu.memory_space<semaphore_mem>>
      %dma_start3A_421 = tpu.memref_slice %arg3[%add3A_130] : memref<131072xi32, #tpu.memory_space<hbm>> -> memref<256xi32, #tpu.memory_space<hbm>>
      %dma_start3A_422 = tpu.memref_slice %arg3[%add3A_130] : memref<131072xi32, #tpu.memory_space<hbm>> -> memref<256xi32, #tpu.memory_space<hbm>>
      tpu.enqueue_dma source(%dma_start3A_422 : memref<256xi32, #tpu.memory_space<hbm>>) target(%arg7 : memref<256xi32, #tpu.memory_space<vmem>>) target_semaphore(%run_scoped3A : memref<!tpu.dma_semaphore, #tpu.memory_space<semaphore_mem>>)
      %dma_wait3A_423 = tpu.memref_slice %arg3[%add3A_130] : memref<131072xi32, #tpu.memory_space<hbm>> -> memref<256xi32, #tpu.memory_space<hbm>>
      %dma_wait3A_424 = tpu.memref_slice %arg3[%add3A_130] : memref<131072xi32, #tpu.memory_space<hbm>> -> memref<256xi32, #tpu.memory_space<hbm>>
      tpu.wait_dma2 semaphore(%run_scoped3A : memref<!tpu.dma_semaphore, #tpu.memory_space<semaphore_mem>>) src(%dma_wait3A_424 : memref<256xi32, #tpu.memory_space<hbm>>) dst(%arg7 : memref<256xi32, #tpu.memory_space<vmem>>)
      tpu.yield
    }) : () -> ()
    %scan3A_131 = arith.constant 0 : i32
    %scan3A_132 = arith.constant 0 : i32
    %scan3A_133 = arith.constant 16 : i32
    %scan3A_134 = arith.addi %scan3A_132, %scan3A_133 : i32
    %scan3A_135 = arith.constant 1 : i32
    %scan3A_136 = scf.for %scan3A_421 = %scan3A_132 to %scan3A_134 step %scan3A_135 iter_args(%scan3A_422 = %scan3A_131) -> (i32)  : i32 {
      %mul3A_423 = arith.constant 16 : i32
      %mul3A_424 = arith.muli %scan3A_421, %mul3A_423 : i32
      %get3A = arith.index_cast %mul3A_424 : i32 to index
      %get3A_425 = tpu.vector_load %arg7[%get3A] {strides = array<i32>} : memref<256xi32, #tpu.memory_space<vmem>>, vector<16xi32>,
      %get3A_426 = vector.shape_cast %get3A_425 : vector<16xi32> to vector<16xi32>
      %add3A_427 = arith.addi %get3A_426, %mul3A_23 : vector<16xi32>
      %swap3A = arith.index_cast %mul3A_424 : i32 to index
      %swap3A_428 = tpu.vector_load %arg7[%swap3A] {strides = array<i32>} : memref<256xi32, #tpu.memory_space<vmem>>, vector<16xi32>,
      %swap3A_429 = vector.shape_cast %swap3A_428 : vector<16xi32> to vector<16xi32>
      %swap3A_430 = vector.shape_cast %add3A_427 : vector<16xi32> to vector<16xi32>
      tpu.vector_store %arg7[%swap3A], %swap3A_430 {strides = array<i32>} : memref<256xi32, #tpu.memory_space<vmem>>, vector<16xi32>,
      %scan3A_431 = arith.constant 0 : i32
      scf.yield %scan3A_431 : i32
    }
    %scan3A_137 = arith.constant 16 : i32
    %dma_wait3A_138 = arith.constant 0 : i32
    %dma_wait3A_139 = tpu.memref_slice %arg4[%add3A_124, %dma_wait3A_138] : memref<131072x128xf32, #tpu.memory_space<hbm>> -> memref<256x128xf32, #tpu.memory_space<hbm>>
    %dma_wait3A_140 = arith.constant 0 : i32
    %dma_wait3A_141 = tpu.memref_slice %arg4[%add3A_124, %dma_wait3A_140] : memref<131072x128xf32, #tpu.memory_space<hbm>> -> memref<256x128xf32, #tpu.memory_space<hbm>>
    tpu.wait_dma2 semaphore(%arg13 : memref<!tpu.dma_semaphore, #tpu.memory_space<semaphore_mem>>) src(%arg9 : memref<256x128xf32, #tpu.memory_space<vmem>>) dst(%dma_wait3A_141 : memref<256x128xf32, #tpu.memory_space<hbm>>)
    %dma_start3A_142 = arith.constant 0 : i32
    %dma_start3A_143 = arith.constant 0 : i32
    %dma_start3A_144 = tpu.memref_slice %arg5[%dma_start3A_142, %dma_start3A_143] : memref<520x128xf32, #tpu.memory_space<vmem_shared>> -> memref<520x128xf32, #tpu.memory_space<vmem_shared>>
    tpu.enqueue_indirect_dma source(%dma_start3A_144 : memref<520x128xf32, #tpu.memory_space<vmem_shared>>) target(%arg9 : memref<256x128xf32, #tpu.memory_space<vmem>>) offsets(%arg7 : memref<256xi32, #tpu.memory_space<vmem>>) semaphore(%arg11 : memref<!tpu.dma_semaphore, #tpu.memory_space<semaphore_mem>>)
    %dma_wait3A_145 = arith.constant 0 : i32
    %dma_wait3A_146 = arith.constant 0 : i32
    %dma_wait3A_147 = tpu.memref_slice %arg5[%dma_wait3A_145, %dma_wait3A_146] : memref<520x128xf32, #tpu.memory_space<vmem_shared>> -> memref<520x128xf32, #tpu.memory_space<vmem_shared>>
    tpu.wait_indirect_dma semaphore(%arg10 : memref<!tpu.dma_semaphore, #tpu.memory_space<semaphore_mem>>) src(%dma_wait3A_147 : memref<520x128xf32, #tpu.memory_space<vmem_shared>>) dst(%arg8 : memref<256x128xf32, #tpu.memory_space<vmem>>)
    %add3A_148 = arith.constant 1024 : i32
    %add3A_149 = arith.addi %mul3A_2, %add3A_148 : i32
    %dma_start3A_150 = arith.constant 0 : i32
    %dma_start3A_151 = tpu.memref_slice %arg4[%add3A_149, %dma_start3A_150] : memref<131072x128xf32, #tpu.memory_space<hbm>> -> memref<256x128xf32, #tpu.memory_space<hbm>>
    %dma_start3A_152 = arith.constant 0 : i32
    %dma_start3A_153 = tpu.memref_slice %arg4[%add3A_149, %dma_start3A_152] : memref<131072x128xf32, #tpu.memory_space<hbm>> -> memref<256x128xf32, #tpu.memory_space<hbm>>
    tpu.enqueue_dma source(%arg8 : memref<256x128xf32, #tpu.memory_space<vmem>>) target(%dma_start3A_153 : memref<256x128xf32, #tpu.memory_space<hbm>>) target_semaphore(%arg12 : memref<!tpu.dma_semaphore, #tpu.memory_space<semaphore_mem>>)
    %add3A_154 = arith.constant 1536 : i32
    %add3A_155 = arith.addi %mul3A_2, %add3A_154 : i32
    "tpu.region"() ({
      %run_scoped3A = tpu.sem_alloc : memref<!tpu.dma_semaphore, #tpu.memory_space<semaphore_mem>>
      %dma_start3A_421 = tpu.memref_slice %arg3[%add3A_155] : memref<131072xi32, #tpu.memory_space<hbm>> -> memref<256xi32, #tpu.memory_space<hbm>>
      %dma_start3A_422 = tpu.memref_slice %arg3[%add3A_155] : memref<131072xi32, #tpu.memory_space<hbm>> -> memref<256xi32, #tpu.memory_space<hbm>>
      tpu.enqueue_dma source(%dma_start3A_422 : memref<256xi32, #tpu.memory_space<hbm>>) target(%arg6 : memref<256xi32, #tpu.memory_space<vmem>>) target_semaphore(%run_scoped3A : memref<!tpu.dma_semaphore, #tpu.memory_space<semaphore_mem>>)
      %dma_wait3A_423 = tpu.memref_slice %arg3[%add3A_155] : memref<131072xi32, #tpu.memory_space<hbm>> -> memref<256xi32, #tpu.memory_space<hbm>>
      %dma_wait3A_424 = tpu.memref_slice %arg3[%add3A_155] : memref<131072xi32, #tpu.memory_space<hbm>> -> memref<256xi32, #tpu.memory_space<hbm>>
      tpu.wait_dma2 semaphore(%run_scoped3A : memref<!tpu.dma_semaphore, #tpu.memory_space<semaphore_mem>>) src(%dma_wait3A_424 : memref<256xi32, #tpu.memory_space<hbm>>) dst(%arg6 : memref<256xi32, #tpu.memory_space<vmem>>)
      tpu.yield
    }) : () -> ()
    %scan3A_156 = arith.constant 0 : i32
    %scan3A_157 = arith.constant 0 : i32
    %scan3A_158 = arith.constant 16 : i32
    %scan3A_159 = arith.addi %scan3A_157, %scan3A_158 : i32
    %scan3A_160 = arith.constant 1 : i32
    %scan3A_161 = scf.for %scan3A_421 = %scan3A_157 to %scan3A_159 step %scan3A_160 iter_args(%scan3A_422 = %scan3A_156) -> (i32)  : i32 {
      %mul3A_423 = arith.constant 16 : i32
      %mul3A_424 = arith.muli %scan3A_421, %mul3A_423 : i32
      %get3A = arith.index_cast %mul3A_424 : i32 to index
      %get3A_425 = tpu.vector_load %arg6[%get3A] {strides = array<i32>} : memref<256xi32, #tpu.memory_space<vmem>>, vector<16xi32>,
      %get3A_426 = vector.shape_cast %get3A_425 : vector<16xi32> to vector<16xi32>
      %add3A_427 = arith.addi %get3A_426, %mul3A_23 : vector<16xi32>
      %swap3A = arith.index_cast %mul3A_424 : i32 to index
      %swap3A_428 = tpu.vector_load %arg6[%swap3A] {strides = array<i32>} : memref<256xi32, #tpu.memory_space<vmem>>, vector<16xi32>,
      %swap3A_429 = vector.shape_cast %swap3A_428 : vector<16xi32> to vector<16xi32>
      %swap3A_430 = vector.shape_cast %add3A_427 : vector<16xi32> to vector<16xi32>
      tpu.vector_store %arg6[%swap3A], %swap3A_430 {strides = array<i32>} : memref<256xi32, #tpu.memory_space<vmem>>, vector<16xi32>,
      %scan3A_431 = arith.constant 0 : i32
      scf.yield %scan3A_431 : i32
    }
    %scan3A_162 = arith.constant 16 : i32
    %dma_wait3A_163 = arith.constant 0 : i32
    %dma_wait3A_164 = tpu.memref_slice %arg4[%add3A_149, %dma_wait3A_163] : memref<131072x128xf32, #tpu.memory_space<hbm>> -> memref<256x128xf32, #tpu.memory_space<hbm>>
    %dma_wait3A_165 = arith.constant 0 : i32
    %dma_wait3A_166 = tpu.memref_slice %arg4[%add3A_149, %dma_wait3A_165] : memref<131072x128xf32, #tpu.memory_space<hbm>> -> memref<256x128xf32, #tpu.memory_space<hbm>>
    tpu.wait_dma2 semaphore(%arg12 : memref<!tpu.dma_semaphore, #tpu.memory_space<semaphore_mem>>) src(%arg8 : memref<256x128xf32, #tpu.memory_space<vmem>>) dst(%dma_wait3A_166 : memref<256x128xf32, #tpu.memory_space<hbm>>)
    %dma_start3A_167 = arith.constant 0 : i32
    %dma_start3A_168 = arith.constant 0 : i32
    %dma_start3A_169 = tpu.memref_slice %arg5[%dma_start3A_167, %dma_start3A_168] : memref<520x128xf32, #tpu.memory_space<vmem_shared>> -> memref<520x128xf32, #tpu.memory_space<vmem_shared>>
    tpu.enqueue_indirect_dma source(%dma_start3A_169 : memref<520x128xf32, #tpu.memory_space<vmem_shared>>) target(%arg8 : memref<256x128xf32, #tpu.memory_space<vmem>>) offsets(%arg6 : memref<256xi32, #tpu.memory_space<vmem>>) semaphore(%arg10 : memref<!tpu.dma_semaphore, #tpu.memory_space<semaphore_mem>>)
    %dma_wait3A_170 = arith.constant 0 : i32
    %dma_wait3A_171 = arith.constant 0 : i32
    %dma_wait3A_172 = tpu.memref_slice %arg5[%dma_wait3A_170, %dma_wait3A_171] : memref<520x128xf32, #tpu.memory_space<vmem_shared>> -> memref<520x128xf32, #tpu.memory_space<vmem_shared>>
    tpu.wait_indirect_dma semaphore(%arg11 : memref<!tpu.dma_semaphore, #tpu.memory_space<semaphore_mem>>) src(%dma_wait3A_172 : memref<520x128xf32, #tpu.memory_space<vmem_shared>>) dst(%arg9 : memref<256x128xf32, #tpu.memory_space<vmem>>)
    %add3A_173 = arith.constant 1280 : i32
    %add3A_174 = arith.addi %mul3A_2, %add3A_173 : i32
    %dma_start3A_175 = arith.constant 0 : i32
    %dma_start3A_176 = tpu.memref_slice %arg4[%add3A_174, %dma_start3A_175] : memref<131072x128xf32, #tpu.memory_space<hbm>> -> memref<256x128xf32, #tpu.memory_space<hbm>>
    %dma_start3A_177 = arith.constant 0 : i32
    %dma_start3A_178 = tpu.memref_slice %arg4[%add3A_174, %dma_start3A_177] : memref<131072x128xf32, #tpu.memory_space<hbm>> -> memref<256x128xf32, #tpu.memory_space<hbm>>
    tpu.enqueue_dma source(%arg9 : memref<256x128xf32, #tpu.memory_space<vmem>>) target(%dma_start3A_178 : memref<256x128xf32, #tpu.memory_space<hbm>>) target_semaphore(%arg13 : memref<!tpu.dma_semaphore, #tpu.memory_space<semaphore_mem>>)
    %add3A_179 = arith.constant 1792 : i32
    %add3A_180 = arith.addi %mul3A_2, %add3A_179 : i32
    "tpu.region"() ({
      %run_scoped3A = tpu.sem_alloc : memref<!tpu.dma_semaphore, #tpu.memory_space<semaphore_mem>>
      %dma_start3A_421 = tpu.memref_slice %arg3[%add3A_180] : memref<131072xi32, #tpu.memory_space<hbm>> -> memref<256xi32, #tpu.memory_space<hbm>>
      %dma_start3A_422 = tpu.memref_slice %arg3[%add3A_180] : memref<131072xi32, #tpu.memory_space<hbm>> -> memref<256xi32, #tpu.memory_space<hbm>>
      tpu.enqueue_dma source(%dma_start3A_422 : memref<256xi32, #tpu.memory_space<hbm>>) target(%arg7 : memref<256xi32, #tpu.memory_space<vmem>>) target_semaphore(%run_scoped3A : memref<!tpu.dma_semaphore, #tpu.memory_space<semaphore_mem>>)
      %dma_wait3A_423 = tpu.memref_slice %arg3[%add3A_180] : memref<131072xi32, #tpu.memory_space<hbm>> -> memref<256xi32, #tpu.memory_space<hbm>>
      %dma_wait3A_424 = tpu.memref_slice %arg3[%add3A_180] : memref<131072xi32, #tpu.memory_space<hbm>> -> memref<256xi32, #tpu.memory_space<hbm>>
      tpu.wait_dma2 semaphore(%run_scoped3A : memref<!tpu.dma_semaphore, #tpu.memory_space<semaphore_mem>>) src(%dma_wait3A_424 : memref<256xi32, #tpu.memory_space<hbm>>) dst(%arg7 : memref<256xi32, #tpu.memory_space<vmem>>)
      tpu.yield
    }) : () -> ()
    %scan3A_181 = arith.constant 0 : i32
    %scan3A_182 = arith.constant 0 : i32
    %scan3A_183 = arith.constant 16 : i32
    %scan3A_184 = arith.addi %scan3A_182, %scan3A_183 : i32
    %scan3A_185 = arith.constant 1 : i32
    %scan3A_186 = scf.for %scan3A_421 = %scan3A_182 to %scan3A_184 step %scan3A_185 iter_args(%scan3A_422 = %scan3A_181) -> (i32)  : i32 {
      %mul3A_423 = arith.constant 16 : i32
      %mul3A_424 = arith.muli %scan3A_421, %mul3A_423 : i32
      %get3A = arith.index_cast %mul3A_424 : i32 to index
      %get3A_425 = tpu.vector_load %arg7[%get3A] {strides = array<i32>} : memref<256xi32, #tpu.memory_space<vmem>>, vector<16xi32>,
      %get3A_426 = vector.shape_cast %get3A_425 : vector<16xi32> to vector<16xi32>
      %add3A_427 = arith.addi %get3A_426, %mul3A_23 : vector<16xi32>
      %swap3A = arith.index_cast %mul3A_424 : i32 to index
      %swap3A_428 = tpu.vector_load %arg7[%swap3A] {strides = array<i32>} : memref<256xi32, #tpu.memory_space<vmem>>, vector<16xi32>,
      %swap3A_429 = vector.shape_cast %swap3A_428 : vector<16xi32> to vector<16xi32>
      %swap3A_430 = vector.shape_cast %add3A_427 : vector<16xi32> to vector<16xi32>
      tpu.vector_store %arg7[%swap3A], %swap3A_430 {strides = array<i32>} : memref<256xi32, #tpu.memory_space<vmem>>, vector<16xi32>,
      %scan3A_431 = arith.constant 0 : i32
      scf.yield %scan3A_431 : i32
    }
    %scan3A_187 = arith.constant 16 : i32
    %dma_wait3A_188 = arith.constant 0 : i32
    %dma_wait3A_189 = tpu.memref_slice %arg4[%add3A_174, %dma_wait3A_188] : memref<131072x128xf32, #tpu.memory_space<hbm>> -> memref<256x128xf32, #tpu.memory_space<hbm>>
    %dma_wait3A_190 = arith.constant 0 : i32
    %dma_wait3A_191 = tpu.memref_slice %arg4[%add3A_174, %dma_wait3A_190] : memref<131072x128xf32, #tpu.memory_space<hbm>> -> memref<256x128xf32, #tpu.memory_space<hbm>>
    tpu.wait_dma2 semaphore(%arg13 : memref<!tpu.dma_semaphore, #tpu.memory_space<semaphore_mem>>) src(%arg9 : memref<256x128xf32, #tpu.memory_space<vmem>>) dst(%dma_wait3A_191 : memref<256x128xf32, #tpu.memory_space<hbm>>)
    %dma_start3A_192 = arith.constant 0 : i32
    %dma_start3A_193 = arith.constant 0 : i32
    %dma_start3A_194 = tpu.memref_slice %arg5[%dma_start3A_192, %dma_start3A_193] : memref<520x128xf32, #tpu.memory_space<vmem_shared>> -> memref<520x128xf32, #tpu.memory_space<vmem_shared>>
    tpu.enqueue_indirect_dma source(%dma_start3A_194 : memref<520x128xf32, #tpu.memory_space<vmem_shared>>) target(%arg9 : memref<256x128xf32, #tpu.memory_space<vmem>>) offsets(%arg7 : memref<256xi32, #tpu.memory_space<vmem>>) semaphore(%arg11 : memref<!tpu.dma_semaphore, #tpu.memory_space<semaphore_mem>>)
    %dma_wait3A_195 = arith.constant 0 : i32
    %dma_wait3A_196 = arith.constant 0 : i32
    %dma_wait3A_197 = tpu.memref_slice %arg5[%dma_wait3A_195, %dma_wait3A_196] : memref<520x128xf32, #tpu.memory_space<vmem_shared>> -> memref<520x128xf32, #tpu.memory_space<vmem_shared>>
    tpu.wait_indirect_dma semaphore(%arg10 : memref<!tpu.dma_semaphore, #tpu.memory_space<semaphore_mem>>) src(%dma_wait3A_197 : memref<520x128xf32, #tpu.memory_space<vmem_shared>>) dst(%arg8 : memref<256x128xf32, #tpu.memory_space<vmem>>)
    %add3A_198 = arith.constant 1536 : i32
    %add3A_199 = arith.addi %mul3A_2, %add3A_198 : i32
    %dma_start3A_200 = arith.constant 0 : i32
    %dma_start3A_201 = tpu.memref_slice %arg4[%add3A_199, %dma_start3A_200] : memref<131072x128xf32, #tpu.memory_space<hbm>> -> memref<256x128xf32, #tpu.memory_space<hbm>>
    %dma_start3A_202 = arith.constant 0 : i32
    %dma_start3A_203 = tpu.memref_slice %arg4[%add3A_199, %dma_start3A_202] : memref<131072x128xf32, #tpu.memory_space<hbm>> -> memref<256x128xf32, #tpu.memory_space<hbm>>
    tpu.enqueue_dma source(%arg8 : memref<256x128xf32, #tpu.memory_space<vmem>>) target(%dma_start3A_203 : memref<256x128xf32, #tpu.memory_space<hbm>>) target_semaphore(%arg12 : memref<!tpu.dma_semaphore, #tpu.memory_space<semaphore_mem>>)
    %add3A_204 = arith.constant 2048 : i32
    %add3A_205 = arith.addi %mul3A_2, %add3A_204 : i32
    "tpu.region"() ({
      %run_scoped3A = tpu.sem_alloc : memref<!tpu.dma_semaphore, #tpu.memory_space<semaphore_mem>>
      %dma_start3A_421 = tpu.memref_slice %arg3[%add3A_205] : memref<131072xi32, #tpu.memory_space<hbm>> -> memref<256xi32, #tpu.memory_space<hbm>>
      %dma_start3A_422 = tpu.memref_slice %arg3[%add3A_205] : memref<131072xi32, #tpu.memory_space<hbm>> -> memref<256xi32, #tpu.memory_space<hbm>>
      tpu.enqueue_dma source(%dma_start3A_422 : memref<256xi32, #tpu.memory_space<hbm>>) target(%arg6 : memref<256xi32, #tpu.memory_space<vmem>>) target_semaphore(%run_scoped3A : memref<!tpu.dma_semaphore, #tpu.memory_space<semaphore_mem>>)
      %dma_wait3A_423 = tpu.memref_slice %arg3[%add3A_205] : memref<131072xi32, #tpu.memory_space<hbm>> -> memref<256xi32, #tpu.memory_space<hbm>>
      %dma_wait3A_424 = tpu.memref_slice %arg3[%add3A_205] : memref<131072xi32, #tpu.memory_space<hbm>> -> memref<256xi32, #tpu.memory_space<hbm>>
      tpu.wait_dma2 semaphore(%run_scoped3A : memref<!tpu.dma_semaphore, #tpu.memory_space<semaphore_mem>>) src(%dma_wait3A_424 : memref<256xi32, #tpu.memory_space<hbm>>) dst(%arg6 : memref<256xi32, #tpu.memory_space<vmem>>)
      tpu.yield
    }) : () -> ()
    %scan3A_206 = arith.constant 0 : i32
    %scan3A_207 = arith.constant 0 : i32
    %scan3A_208 = arith.constant 16 : i32
    %scan3A_209 = arith.addi %scan3A_207, %scan3A_208 : i32
    %scan3A_210 = arith.constant 1 : i32
    %scan3A_211 = scf.for %scan3A_421 = %scan3A_207 to %scan3A_209 step %scan3A_210 iter_args(%scan3A_422 = %scan3A_206) -> (i32)  : i32 {
      %mul3A_423 = arith.constant 16 : i32
      %mul3A_424 = arith.muli %scan3A_421, %mul3A_423 : i32
      %get3A = arith.index_cast %mul3A_424 : i32 to index
      %get3A_425 = tpu.vector_load %arg6[%get3A] {strides = array<i32>} : memref<256xi32, #tpu.memory_space<vmem>>, vector<16xi32>,
      %get3A_426 = vector.shape_cast %get3A_425 : vector<16xi32> to vector<16xi32>
      %add3A_427 = arith.addi %get3A_426, %mul3A_23 : vector<16xi32>
      %swap3A = arith.index_cast %mul3A_424 : i32 to index
      %swap3A_428 = tpu.vector_load %arg6[%swap3A] {strides = array<i32>} : memref<256xi32, #tpu.memory_space<vmem>>, vector<16xi32>,
      %swap3A_429 = vector.shape_cast %swap3A_428 : vector<16xi32> to vector<16xi32>
      %swap3A_430 = vector.shape_cast %add3A_427 : vector<16xi32> to vector<16xi32>
      tpu.vector_store %arg6[%swap3A], %swap3A_430 {strides = array<i32>} : memref<256xi32, #tpu.memory_space<vmem>>, vector<16xi32>,
      %scan3A_431 = arith.constant 0 : i32
      scf.yield %scan3A_431 : i32
    }
    %scan3A_212 = arith.constant 16 : i32
    %dma_wait3A_213 = arith.constant 0 : i32
    %dma_wait3A_214 = tpu.memref_slice %arg4[%add3A_199, %dma_wait3A_213] : memref<131072x128xf32, #tpu.memory_space<hbm>> -> memref<256x128xf32, #tpu.memory_space<hbm>>
    %dma_wait3A_215 = arith.constant 0 : i32
    %dma_wait3A_216 = tpu.memref_slice %arg4[%add3A_199, %dma_wait3A_215] : memref<131072x128xf32, #tpu.memory_space<hbm>> -> memref<256x128xf32, #tpu.memory_space<hbm>>
    tpu.wait_dma2 semaphore(%arg12 : memref<!tpu.dma_semaphore, #tpu.memory_space<semaphore_mem>>) src(%arg8 : memref<256x128xf32, #tpu.memory_space<vmem>>) dst(%dma_wait3A_216 : memref<256x128xf32, #tpu.memory_space<hbm>>)
    %dma_start3A_217 = arith.constant 0 : i32
    %dma_start3A_218 = arith.constant 0 : i32
    %dma_start3A_219 = tpu.memref_slice %arg5[%dma_start3A_217, %dma_start3A_218] : memref<520x128xf32, #tpu.memory_space<vmem_shared>> -> memref<520x128xf32, #tpu.memory_space<vmem_shared>>
    tpu.enqueue_indirect_dma source(%dma_start3A_219 : memref<520x128xf32, #tpu.memory_space<vmem_shared>>) target(%arg8 : memref<256x128xf32, #tpu.memory_space<vmem>>) offsets(%arg6 : memref<256xi32, #tpu.memory_space<vmem>>) semaphore(%arg10 : memref<!tpu.dma_semaphore, #tpu.memory_space<semaphore_mem>>)
    %dma_wait3A_220 = arith.constant 0 : i32
    %dma_wait3A_221 = arith.constant 0 : i32
    %dma_wait3A_222 = tpu.memref_slice %arg5[%dma_wait3A_220, %dma_wait3A_221] : memref<520x128xf32, #tpu.memory_space<vmem_shared>> -> memref<520x128xf32, #tpu.memory_space<vmem_shared>>
    tpu.wait_indirect_dma semaphore(%arg11 : memref<!tpu.dma_semaphore, #tpu.memory_space<semaphore_mem>>) src(%dma_wait3A_222 : memref<520x128xf32, #tpu.memory_space<vmem_shared>>) dst(%arg9 : memref<256x128xf32, #tpu.memory_space<vmem>>)
    %add3A_223 = arith.constant 1792 : i32
    %add3A_224 = arith.addi %mul3A_2, %add3A_223 : i32
    %dma_start3A_225 = arith.constant 0 : i32
    %dma_start3A_226 = tpu.memref_slice %arg4[%add3A_224, %dma_start3A_225] : memref<131072x128xf32, #tpu.memory_space<hbm>> -> memref<256x128xf32, #tpu.memory_space<hbm>>
    %dma_start3A_227 = arith.constant 0 : i32
    %dma_start3A_228 = tpu.memref_slice %arg4[%add3A_224, %dma_start3A_227] : memref<131072x128xf32, #tpu.memory_space<hbm>> -> memref<256x128xf32, #tpu.memory_space<hbm>>
    tpu.enqueue_dma source(%arg9 : memref<256x128xf32, #tpu.memory_space<vmem>>) target(%dma_start3A_228 : memref<256x128xf32, #tpu.memory_space<hbm>>) target_semaphore(%arg13 : memref<!tpu.dma_semaphore, #tpu.memory_space<semaphore_mem>>)
    %add3A_229 = arith.constant 2304 : i32
    %add3A_230 = arith.addi %mul3A_2, %add3A_229 : i32
    "tpu.region"() ({
      %run_scoped3A = tpu.sem_alloc : memref<!tpu.dma_semaphore, #tpu.memory_space<semaphore_mem>>
      %dma_start3A_421 = tpu.memref_slice %arg3[%add3A_230] : memref<131072xi32, #tpu.memory_space<hbm>> -> memref<256xi32, #tpu.memory_space<hbm>>
      %dma_start3A_422 = tpu.memref_slice %arg3[%add3A_230] : memref<131072xi32, #tpu.memory_space<hbm>> -> memref<256xi32, #tpu.memory_space<hbm>>
      tpu.enqueue_dma source(%dma_start3A_422 : memref<256xi32, #tpu.memory_space<hbm>>) target(%arg7 : memref<256xi32, #tpu.memory_space<vmem>>) target_semaphore(%run_scoped3A : memref<!tpu.dma_semaphore, #tpu.memory_space<semaphore_mem>>)
      %dma_wait3A_423 = tpu.memref_slice %arg3[%add3A_230] : memref<131072xi32, #tpu.memory_space<hbm>> -> memref<256xi32, #tpu.memory_space<hbm>>
      %dma_wait3A_424 = tpu.memref_slice %arg3[%add3A_230] : memref<131072xi32, #tpu.memory_space<hbm>> -> memref<256xi32, #tpu.memory_space<hbm>>
      tpu.wait_dma2 semaphore(%run_scoped3A : memref<!tpu.dma_semaphore, #tpu.memory_space<semaphore_mem>>) src(%dma_wait3A_424 : memref<256xi32, #tpu.memory_space<hbm>>) dst(%arg7 : memref<256xi32, #tpu.memory_space<vmem>>)
      tpu.yield
    }) : () -> ()
    %scan3A_231 = arith.constant 0 : i32
    %scan3A_232 = arith.constant 0 : i32
    %scan3A_233 = arith.constant 16 : i32
    %scan3A_234 = arith.addi %scan3A_232, %scan3A_233 : i32
    %scan3A_235 = arith.constant 1 : i32
    %scan3A_236 = scf.for %scan3A_421 = %scan3A_232 to %scan3A_234 step %scan3A_235 iter_args(%scan3A_422 = %scan3A_231) -> (i32)  : i32 {
      %mul3A_423 = arith.constant 16 : i32
      %mul3A_424 = arith.muli %scan3A_421, %mul3A_423 : i32
      %get3A = arith.index_cast %mul3A_424 : i32 to index
      %get3A_425 = tpu.vector_load %arg7[%get3A] {strides = array<i32>} : memref<256xi32, #tpu.memory_space<vmem>>, vector<16xi32>,
      %get3A_426 = vector.shape_cast %get3A_425 : vector<16xi32> to vector<16xi32>
      %add3A_427 = arith.addi %get3A_426, %mul3A_23 : vector<16xi32>
      %swap3A = arith.index_cast %mul3A_424 : i32 to index
      %swap3A_428 = tpu.vector_load %arg7[%swap3A] {strides = array<i32>} : memref<256xi32, #tpu.memory_space<vmem>>, vector<16xi32>,
      %swap3A_429 = vector.shape_cast %swap3A_428 : vector<16xi32> to vector<16xi32>
      %swap3A_430 = vector.shape_cast %add3A_427 : vector<16xi32> to vector<16xi32>
      tpu.vector_store %arg7[%swap3A], %swap3A_430 {strides = array<i32>} : memref<256xi32, #tpu.memory_space<vmem>>, vector<16xi32>,
      %scan3A_431 = arith.constant 0 : i32
      scf.yield %scan3A_431 : i32
    }
    %scan3A_237 = arith.constant 16 : i32
    %dma_wait3A_238 = arith.constant 0 : i32
    %dma_wait3A_239 = tpu.memref_slice %arg4[%add3A_224, %dma_wait3A_238] : memref<131072x128xf32, #tpu.memory_space<hbm>> -> memref<256x128xf32, #tpu.memory_space<hbm>>
    %dma_wait3A_240 = arith.constant 0 : i32
    %dma_wait3A_241 = tpu.memref_slice %arg4[%add3A_224, %dma_wait3A_240] : memref<131072x128xf32, #tpu.memory_space<hbm>> -> memref<256x128xf32, #tpu.memory_space<hbm>>
    tpu.wait_dma2 semaphore(%arg13 : memref<!tpu.dma_semaphore, #tpu.memory_space<semaphore_mem>>) src(%arg9 : memref<256x128xf32, #tpu.memory_space<vmem>>) dst(%dma_wait3A_241 : memref<256x128xf32, #tpu.memory_space<hbm>>)
    %dma_start3A_242 = arith.constant 0 : i32
    %dma_start3A_243 = arith.constant 0 : i32
    %dma_start3A_244 = tpu.memref_slice %arg5[%dma_start3A_242, %dma_start3A_243] : memref<520x128xf32, #tpu.memory_space<vmem_shared>> -> memref<520x128xf32, #tpu.memory_space<vmem_shared>>
    tpu.enqueue_indirect_dma source(%dma_start3A_244 : memref<520x128xf32, #tpu.memory_space<vmem_shared>>) target(%arg9 : memref<256x128xf32, #tpu.memory_space<vmem>>) offsets(%arg7 : memref<256xi32, #tpu.memory_space<vmem>>) semaphore(%arg11 : memref<!tpu.dma_semaphore, #tpu.memory_space<semaphore_mem>>)
    %dma_wait3A_245 = arith.constant 0 : i32
    %dma_wait3A_246 = arith.constant 0 : i32
    %dma_wait3A_247 = tpu.memref_slice %arg5[%dma_wait3A_245, %dma_wait3A_246] : memref<520x128xf32, #tpu.memory_space<vmem_shared>> -> memref<520x128xf32, #tpu.memory_space<vmem_shared>>
    tpu.wait_indirect_dma semaphore(%arg10 : memref<!tpu.dma_semaphore, #tpu.memory_space<semaphore_mem>>) src(%dma_wait3A_247 : memref<520x128xf32, #tpu.memory_space<vmem_shared>>) dst(%arg8 : memref<256x128xf32, #tpu.memory_space<vmem>>)
    %add3A_248 = arith.constant 2048 : i32
    %add3A_249 = arith.addi %mul3A_2, %add3A_248 : i32
    %dma_start3A_250 = arith.constant 0 : i32
    %dma_start3A_251 = tpu.memref_slice %arg4[%add3A_249, %dma_start3A_250] : memref<131072x128xf32, #tpu.memory_space<hbm>> -> memref<256x128xf32, #tpu.memory_space<hbm>>
    %dma_start3A_252 = arith.constant 0 : i32
    %dma_start3A_253 = tpu.memref_slice %arg4[%add3A_249, %dma_start3A_252] : memref<131072x128xf32, #tpu.memory_space<hbm>> -> memref<256x128xf32, #tpu.memory_space<hbm>>
    tpu.enqueue_dma source(%arg8 : memref<256x128xf32, #tpu.memory_space<vmem>>) target(%dma_start3A_253 : memref<256x128xf32, #tpu.memory_space<hbm>>) target_semaphore(%arg12 : memref<!tpu.dma_semaphore, #tpu.memory_space<semaphore_mem>>)
    %add3A_254 = arith.constant 2560 : i32
    %add3A_255 = arith.addi %mul3A_2, %add3A_254 : i32
    "tpu.region"() ({
      %run_scoped3A = tpu.sem_alloc : memref<!tpu.dma_semaphore, #tpu.memory_space<semaphore_mem>>
      %dma_start3A_421 = tpu.memref_slice %arg3[%add3A_255] : memref<131072xi32, #tpu.memory_space<hbm>> -> memref<256xi32, #tpu.memory_space<hbm>>
      %dma_start3A_422 = tpu.memref_slice %arg3[%add3A_255] : memref<131072xi32, #tpu.memory_space<hbm>> -> memref<256xi32, #tpu.memory_space<hbm>>
      tpu.enqueue_dma source(%dma_start3A_422 : memref<256xi32, #tpu.memory_space<hbm>>) target(%arg6 : memref<256xi32, #tpu.memory_space<vmem>>) target_semaphore(%run_scoped3A : memref<!tpu.dma_semaphore, #tpu.memory_space<semaphore_mem>>)
      %dma_wait3A_423 = tpu.memref_slice %arg3[%add3A_255] : memref<131072xi32, #tpu.memory_space<hbm>> -> memref<256xi32, #tpu.memory_space<hbm>>
      %dma_wait3A_424 = tpu.memref_slice %arg3[%add3A_255] : memref<131072xi32, #tpu.memory_space<hbm>> -> memref<256xi32, #tpu.memory_space<hbm>>
      tpu.wait_dma2 semaphore(%run_scoped3A : memref<!tpu.dma_semaphore, #tpu.memory_space<semaphore_mem>>) src(%dma_wait3A_424 : memref<256xi32, #tpu.memory_space<hbm>>) dst(%arg6 : memref<256xi32, #tpu.memory_space<vmem>>)
      tpu.yield
    }) : () -> ()
    %scan3A_256 = arith.constant 0 : i32
    %scan3A_257 = arith.constant 0 : i32
    %scan3A_258 = arith.constant 16 : i32
    %scan3A_259 = arith.addi %scan3A_257, %scan3A_258 : i32
    %scan3A_260 = arith.constant 1 : i32
    %scan3A_261 = scf.for %scan3A_421 = %scan3A_257 to %scan3A_259 step %scan3A_260 iter_args(%scan3A_422 = %scan3A_256) -> (i32)  : i32 {
      %mul3A_423 = arith.constant 16 : i32
      %mul3A_424 = arith.muli %scan3A_421, %mul3A_423 : i32
      %get3A = arith.index_cast %mul3A_424 : i32 to index
      %get3A_425 = tpu.vector_load %arg6[%get3A] {strides = array<i32>} : memref<256xi32, #tpu.memory_space<vmem>>, vector<16xi32>,
      %get3A_426 = vector.shape_cast %get3A_425 : vector<16xi32> to vector<16xi32>
      %add3A_427 = arith.addi %get3A_426, %mul3A_23 : vector<16xi32>
      %swap3A = arith.index_cast %mul3A_424 : i32 to index
      %swap3A_428 = tpu.vector_load %arg6[%swap3A] {strides = array<i32>} : memref<256xi32, #tpu.memory_space<vmem>>, vector<16xi32>,
      %swap3A_429 = vector.shape_cast %swap3A_428 : vector<16xi32> to vector<16xi32>
      %swap3A_430 = vector.shape_cast %add3A_427 : vector<16xi32> to vector<16xi32>
      tpu.vector_store %arg6[%swap3A], %swap3A_430 {strides = array<i32>} : memref<256xi32, #tpu.memory_space<vmem>>, vector<16xi32>,
      %scan3A_431 = arith.constant 0 : i32
      scf.yield %scan3A_431 : i32
    }
    %scan3A_262 = arith.constant 16 : i32
    %dma_wait3A_263 = arith.constant 0 : i32
    %dma_wait3A_264 = tpu.memref_slice %arg4[%add3A_249, %dma_wait3A_263] : memref<131072x128xf32, #tpu.memory_space<hbm>> -> memref<256x128xf32, #tpu.memory_space<hbm>>
    %dma_wait3A_265 = arith.constant 0 : i32
    %dma_wait3A_266 = tpu.memref_slice %arg4[%add3A_249, %dma_wait3A_265] : memref<131072x128xf32, #tpu.memory_space<hbm>> -> memref<256x128xf32, #tpu.memory_space<hbm>>
    tpu.wait_dma2 semaphore(%arg12 : memref<!tpu.dma_semaphore, #tpu.memory_space<semaphore_mem>>) src(%arg8 : memref<256x128xf32, #tpu.memory_space<vmem>>) dst(%dma_wait3A_266 : memref<256x128xf32, #tpu.memory_space<hbm>>)
    %dma_start3A_267 = arith.constant 0 : i32
    %dma_start3A_268 = arith.constant 0 : i32
    %dma_start3A_269 = tpu.memref_slice %arg5[%dma_start3A_267, %dma_start3A_268] : memref<520x128xf32, #tpu.memory_space<vmem_shared>> -> memref<520x128xf32, #tpu.memory_space<vmem_shared>>
    tpu.enqueue_indirect_dma source(%dma_start3A_269 : memref<520x128xf32, #tpu.memory_space<vmem_shared>>) target(%arg8 : memref<256x128xf32, #tpu.memory_space<vmem>>) offsets(%arg6 : memref<256xi32, #tpu.memory_space<vmem>>) semaphore(%arg10 : memref<!tpu.dma_semaphore, #tpu.memory_space<semaphore_mem>>)
    %dma_wait3A_270 = arith.constant 0 : i32
    %dma_wait3A_271 = arith.constant 0 : i32
    %dma_wait3A_272 = tpu.memref_slice %arg5[%dma_wait3A_270, %dma_wait3A_271] : memref<520x128xf32, #tpu.memory_space<vmem_shared>> -> memref<520x128xf32, #tpu.memory_space<vmem_shared>>
    tpu.wait_indirect_dma semaphore(%arg11 : memref<!tpu.dma_semaphore, #tpu.memory_space<semaphore_mem>>) src(%dma_wait3A_272 : memref<520x128xf32, #tpu.memory_space<vmem_shared>>) dst(%arg9 : memref<256x128xf32, #tpu.memory_space<vmem>>)
    %add3A_273 = arith.constant 2304 : i32
    %add3A_274 = arith.addi %mul3A_2, %add3A_273 : i32
    %dma_start3A_275 = arith.constant 0 : i32
    %dma_start3A_276 = tpu.memref_slice %arg4[%add3A_274, %dma_start3A_275] : memref<131072x128xf32, #tpu.memory_space<hbm>> -> memref<256x128xf32, #tpu.memory_space<hbm>>
    %dma_start3A_277 = arith.constant 0 : i32
    %dma_start3A_278 = tpu.memref_slice %arg4[%add3A_274, %dma_start3A_277] : memref<131072x128xf32, #tpu.memory_space<hbm>> -> memref<256x128xf32, #tpu.memory_space<hbm>>
    tpu.enqueue_dma source(%arg9 : memref<256x128xf32, #tpu.memory_space<vmem>>) target(%dma_start3A_278 : memref<256x128xf32, #tpu.memory_space<hbm>>) target_semaphore(%arg13 : memref<!tpu.dma_semaphore, #tpu.memory_space<semaphore_mem>>)
    %add3A_279 = arith.constant 2816 : i32
    %add3A_280 = arith.addi %mul3A_2, %add3A_279 : i32
    "tpu.region"() ({
      %run_scoped3A = tpu.sem_alloc : memref<!tpu.dma_semaphore, #tpu.memory_space<semaphore_mem>>
      %dma_start3A_421 = tpu.memref_slice %arg3[%add3A_280] : memref<131072xi32, #tpu.memory_space<hbm>> -> memref<256xi32, #tpu.memory_space<hbm>>
      %dma_start3A_422 = tpu.memref_slice %arg3[%add3A_280] : memref<131072xi32, #tpu.memory_space<hbm>> -> memref<256xi32, #tpu.memory_space<hbm>>
      tpu.enqueue_dma source(%dma_start3A_422 : memref<256xi32, #tpu.memory_space<hbm>>) target(%arg7 : memref<256xi32, #tpu.memory_space<vmem>>) target_semaphore(%run_scoped3A : memref<!tpu.dma_semaphore, #tpu.memory_space<semaphore_mem>>)
      %dma_wait3A_423 = tpu.memref_slice %arg3[%add3A_280] : memref<131072xi32, #tpu.memory_space<hbm>> -> memref<256xi32, #tpu.memory_space<hbm>>
      %dma_wait3A_424 = tpu.memref_slice %arg3[%add3A_280] : memref<131072xi32, #tpu.memory_space<hbm>> -> memref<256xi32, #tpu.memory_space<hbm>>
      tpu.wait_dma2 semaphore(%run_scoped3A : memref<!tpu.dma_semaphore, #tpu.memory_space<semaphore_mem>>) src(%dma_wait3A_424 : memref<256xi32, #tpu.memory_space<hbm>>) dst(%arg7 : memref<256xi32, #tpu.memory_space<vmem>>)
      tpu.yield
    }) : () -> ()
    %scan3A_281 = arith.constant 0 : i32
    %scan3A_282 = arith.constant 0 : i32
    %scan3A_283 = arith.constant 16 : i32
    %scan3A_284 = arith.addi %scan3A_282, %scan3A_283 : i32
    %scan3A_285 = arith.constant 1 : i32
    %scan3A_286 = scf.for %scan3A_421 = %scan3A_282 to %scan3A_284 step %scan3A_285 iter_args(%scan3A_422 = %scan3A_281) -> (i32)  : i32 {
      %mul3A_423 = arith.constant 16 : i32
      %mul3A_424 = arith.muli %scan3A_421, %mul3A_423 : i32
      %get3A = arith.index_cast %mul3A_424 : i32 to index
      %get3A_425 = tpu.vector_load %arg7[%get3A] {strides = array<i32>} : memref<256xi32, #tpu.memory_space<vmem>>, vector<16xi32>,
      %get3A_426 = vector.shape_cast %get3A_425 : vector<16xi32> to vector<16xi32>
      %add3A_427 = arith.addi %get3A_426, %mul3A_23 : vector<16xi32>
      %swap3A = arith.index_cast %mul3A_424 : i32 to index
      %swap3A_428 = tpu.vector_load %arg7[%swap3A] {strides = array<i32>} : memref<256xi32, #tpu.memory_space<vmem>>, vector<16xi32>,
      %swap3A_429 = vector.shape_cast %swap3A_428 : vector<16xi32> to vector<16xi32>
      %swap3A_430 = vector.shape_cast %add3A_427 : vector<16xi32> to vector<16xi32>
      tpu.vector_store %arg7[%swap3A], %swap3A_430 {strides = array<i32>} : memref<256xi32, #tpu.memory_space<vmem>>, vector<16xi32>,
      %scan3A_431 = arith.constant 0 : i32
      scf.yield %scan3A_431 : i32
    }
    %scan3A_287 = arith.constant 16 : i32
    %dma_wait3A_288 = arith.constant 0 : i32
    %dma_wait3A_289 = tpu.memref_slice %arg4[%add3A_274, %dma_wait3A_288] : memref<131072x128xf32, #tpu.memory_space<hbm>> -> memref<256x128xf32, #tpu.memory_space<hbm>>
    %dma_wait3A_290 = arith.constant 0 : i32
    %dma_wait3A_291 = tpu.memref_slice %arg4[%add3A_274, %dma_wait3A_290] : memref<131072x128xf32, #tpu.memory_space<hbm>> -> memref<256x128xf32, #tpu.memory_space<hbm>>
    tpu.wait_dma2 semaphore(%arg13 : memref<!tpu.dma_semaphore, #tpu.memory_space<semaphore_mem>>) src(%arg9 : memref<256x128xf32, #tpu.memory_space<vmem>>) dst(%dma_wait3A_291 : memref<256x128xf32, #tpu.memory_space<hbm>>)
    %dma_start3A_292 = arith.constant 0 : i32
    %dma_start3A_293 = arith.constant 0 : i32
    %dma_start3A_294 = tpu.memref_slice %arg5[%dma_start3A_292, %dma_start3A_293] : memref<520x128xf32, #tpu.memory_space<vmem_shared>> -> memref<520x128xf32, #tpu.memory_space<vmem_shared>>
    tpu.enqueue_indirect_dma source(%dma_start3A_294 : memref<520x128xf32, #tpu.memory_space<vmem_shared>>) target(%arg9 : memref<256x128xf32, #tpu.memory_space<vmem>>) offsets(%arg7 : memref<256xi32, #tpu.memory_space<vmem>>) semaphore(%arg11 : memref<!tpu.dma_semaphore, #tpu.memory_space<semaphore_mem>>)
    %dma_wait3A_295 = arith.constant 0 : i32
    %dma_wait3A_296 = arith.constant 0 : i32
    %dma_wait3A_297 = tpu.memref_slice %arg5[%dma_wait3A_295, %dma_wait3A_296] : memref<520x128xf32, #tpu.memory_space<vmem_shared>> -> memref<520x128xf32, #tpu.memory_space<vmem_shared>>
    tpu.wait_indirect_dma semaphore(%arg10 : memref<!tpu.dma_semaphore, #tpu.memory_space<semaphore_mem>>) src(%dma_wait3A_297 : memref<520x128xf32, #tpu.memory_space<vmem_shared>>) dst(%arg8 : memref<256x128xf32, #tpu.memory_space<vmem>>)
    %add3A_298 = arith.constant 2560 : i32
    %add3A_299 = arith.addi %mul3A_2, %add3A_298 : i32
    %dma_start3A_300 = arith.constant 0 : i32
    %dma_start3A_301 = tpu.memref_slice %arg4[%add3A_299, %dma_start3A_300] : memref<131072x128xf32, #tpu.memory_space<hbm>> -> memref<256x128xf32, #tpu.memory_space<hbm>>
    %dma_start3A_302 = arith.constant 0 : i32
    %dma_start3A_303 = tpu.memref_slice %arg4[%add3A_299, %dma_start3A_302] : memref<131072x128xf32, #tpu.memory_space<hbm>> -> memref<256x128xf32, #tpu.memory_space<hbm>>
    tpu.enqueue_dma source(%arg8 : memref<256x128xf32, #tpu.memory_space<vmem>>) target(%dma_start3A_303 : memref<256x128xf32, #tpu.memory_space<hbm>>) target_semaphore(%arg12 : memref<!tpu.dma_semaphore, #tpu.memory_space<semaphore_mem>>)
    %add3A_304 = arith.constant 3072 : i32
    %add3A_305 = arith.addi %mul3A_2, %add3A_304 : i32
    "tpu.region"() ({
      %run_scoped3A = tpu.sem_alloc : memref<!tpu.dma_semaphore, #tpu.memory_space<semaphore_mem>>
      %dma_start3A_421 = tpu.memref_slice %arg3[%add3A_305] : memref<131072xi32, #tpu.memory_space<hbm>> -> memref<256xi32, #tpu.memory_space<hbm>>
      %dma_start3A_422 = tpu.memref_slice %arg3[%add3A_305] : memref<131072xi32, #tpu.memory_space<hbm>> -> memref<256xi32, #tpu.memory_space<hbm>>
      tpu.enqueue_dma source(%dma_start3A_422 : memref<256xi32, #tpu.memory_space<hbm>>) target(%arg6 : memref<256xi32, #tpu.memory_space<vmem>>) target_semaphore(%run_scoped3A : memref<!tpu.dma_semaphore, #tpu.memory_space<semaphore_mem>>)
      %dma_wait3A_423 = tpu.memref_slice %arg3[%add3A_305] : memref<131072xi32, #tpu.memory_space<hbm>> -> memref<256xi32, #tpu.memory_space<hbm>>
      %dma_wait3A_424 = tpu.memref_slice %arg3[%add3A_305] : memref<131072xi32, #tpu.memory_space<hbm>> -> memref<256xi32, #tpu.memory_space<hbm>>
      tpu.wait_dma2 semaphore(%run_scoped3A : memref<!tpu.dma_semaphore, #tpu.memory_space<semaphore_mem>>) src(%dma_wait3A_424 : memref<256xi32, #tpu.memory_space<hbm>>) dst(%arg6 : memref<256xi32, #tpu.memory_space<vmem>>)
      tpu.yield
    }) : () -> ()
    %scan3A_306 = arith.constant 0 : i32
    %scan3A_307 = arith.constant 0 : i32
    %scan3A_308 = arith.constant 16 : i32
    %scan3A_309 = arith.addi %scan3A_307, %scan3A_308 : i32
    %scan3A_310 = arith.constant 1 : i32
    %scan3A_311 = scf.for %scan3A_421 = %scan3A_307 to %scan3A_309 step %scan3A_310 iter_args(%scan3A_422 = %scan3A_306) -> (i32)  : i32 {
      %mul3A_423 = arith.constant 16 : i32
      %mul3A_424 = arith.muli %scan3A_421, %mul3A_423 : i32
      %get3A = arith.index_cast %mul3A_424 : i32 to index
      %get3A_425 = tpu.vector_load %arg6[%get3A] {strides = array<i32>} : memref<256xi32, #tpu.memory_space<vmem>>, vector<16xi32>,
      %get3A_426 = vector.shape_cast %get3A_425 : vector<16xi32> to vector<16xi32>
      %add3A_427 = arith.addi %get3A_426, %mul3A_23 : vector<16xi32>
      %swap3A = arith.index_cast %mul3A_424 : i32 to index
      %swap3A_428 = tpu.vector_load %arg6[%swap3A] {strides = array<i32>} : memref<256xi32, #tpu.memory_space<vmem>>, vector<16xi32>,
      %swap3A_429 = vector.shape_cast %swap3A_428 : vector<16xi32> to vector<16xi32>
      %swap3A_430 = vector.shape_cast %add3A_427 : vector<16xi32> to vector<16xi32>
      tpu.vector_store %arg6[%swap3A], %swap3A_430 {strides = array<i32>} : memref<256xi32, #tpu.memory_space<vmem>>, vector<16xi32>,
      %scan3A_431 = arith.constant 0 : i32
      scf.yield %scan3A_431 : i32
    }
    %scan3A_312 = arith.constant 16 : i32
    %dma_wait3A_313 = arith.constant 0 : i32
    %dma_wait3A_314 = tpu.memref_slice %arg4[%add3A_299, %dma_wait3A_313] : memref<131072x128xf32, #tpu.memory_space<hbm>> -> memref<256x128xf32, #tpu.memory_space<hbm>>
    %dma_wait3A_315 = arith.constant 0 : i32
    %dma_wait3A_316 = tpu.memref_slice %arg4[%add3A_299, %dma_wait3A_315] : memref<131072x128xf32, #tpu.memory_space<hbm>> -> memref<256x128xf32, #tpu.memory_space<hbm>>
    tpu.wait_dma2 semaphore(%arg12 : memref<!tpu.dma_semaphore, #tpu.memory_space<semaphore_mem>>) src(%arg8 : memref<256x128xf32, #tpu.memory_space<vmem>>) dst(%dma_wait3A_316 : memref<256x128xf32, #tpu.memory_space<hbm>>)
    %dma_start3A_317 = arith.constant 0 : i32
    %dma_start3A_318 = arith.constant 0 : i32
    %dma_start3A_319 = tpu.memref_slice %arg5[%dma_start3A_317, %dma_start3A_318] : memref<520x128xf32, #tpu.memory_space<vmem_shared>> -> memref<520x128xf32, #tpu.memory_space<vmem_shared>>
    tpu.enqueue_indirect_dma source(%dma_start3A_319 : memref<520x128xf32, #tpu.memory_space<vmem_shared>>) target(%arg8 : memref<256x128xf32, #tpu.memory_space<vmem>>) offsets(%arg6 : memref<256xi32, #tpu.memory_space<vmem>>) semaphore(%arg10 : memref<!tpu.dma_semaphore, #tpu.memory_space<semaphore_mem>>)
    %dma_wait3A_320 = arith.constant 0 : i32
    %dma_wait3A_321 = arith.constant 0 : i32
    %dma_wait3A_322 = tpu.memref_slice %arg5[%dma_wait3A_320, %dma_wait3A_321] : memref<520x128xf32, #tpu.memory_space<vmem_shared>> -> memref<520x128xf32, #tpu.memory_space<vmem_shared>>
    tpu.wait_indirect_dma semaphore(%arg11 : memref<!tpu.dma_semaphore, #tpu.memory_space<semaphore_mem>>) src(%dma_wait3A_322 : memref<520x128xf32, #tpu.memory_space<vmem_shared>>) dst(%arg9 : memref<256x128xf32, #tpu.memory_space<vmem>>)
    %add3A_323 = arith.constant 2816 : i32
    %add3A_324 = arith.addi %mul3A_2, %add3A_323 : i32
    %dma_start3A_325 = arith.constant 0 : i32
    %dma_start3A_326 = tpu.memref_slice %arg4[%add3A_324, %dma_start3A_325] : memref<131072x128xf32, #tpu.memory_space<hbm>> -> memref<256x128xf32, #tpu.memory_space<hbm>>
    %dma_start3A_327 = arith.constant 0 : i32
    %dma_start3A_328 = tpu.memref_slice %arg4[%add3A_324, %dma_start3A_327] : memref<131072x128xf32, #tpu.memory_space<hbm>> -> memref<256x128xf32, #tpu.memory_space<hbm>>
    tpu.enqueue_dma source(%arg9 : memref<256x128xf32, #tpu.memory_space<vmem>>) target(%dma_start3A_328 : memref<256x128xf32, #tpu.memory_space<hbm>>) target_semaphore(%arg13 : memref<!tpu.dma_semaphore, #tpu.memory_space<semaphore_mem>>)
    %add3A_329 = arith.constant 3328 : i32
    %add3A_330 = arith.addi %mul3A_2, %add3A_329 : i32
    "tpu.region"() ({
      %run_scoped3A = tpu.sem_alloc : memref<!tpu.dma_semaphore, #tpu.memory_space<semaphore_mem>>
      %dma_start3A_421 = tpu.memref_slice %arg3[%add3A_330] : memref<131072xi32, #tpu.memory_space<hbm>> -> memref<256xi32, #tpu.memory_space<hbm>>
      %dma_start3A_422 = tpu.memref_slice %arg3[%add3A_330] : memref<131072xi32, #tpu.memory_space<hbm>> -> memref<256xi32, #tpu.memory_space<hbm>>
      tpu.enqueue_dma source(%dma_start3A_422 : memref<256xi32, #tpu.memory_space<hbm>>) target(%arg7 : memref<256xi32, #tpu.memory_space<vmem>>) target_semaphore(%run_scoped3A : memref<!tpu.dma_semaphore, #tpu.memory_space<semaphore_mem>>)
      %dma_wait3A_423 = tpu.memref_slice %arg3[%add3A_330] : memref<131072xi32, #tpu.memory_space<hbm>> -> memref<256xi32, #tpu.memory_space<hbm>>
      %dma_wait3A_424 = tpu.memref_slice %arg3[%add3A_330] : memref<131072xi32, #tpu.memory_space<hbm>> -> memref<256xi32, #tpu.memory_space<hbm>>
      tpu.wait_dma2 semaphore(%run_scoped3A : memref<!tpu.dma_semaphore, #tpu.memory_space<semaphore_mem>>) src(%dma_wait3A_424 : memref<256xi32, #tpu.memory_space<hbm>>) dst(%arg7 : memref<256xi32, #tpu.memory_space<vmem>>)
      tpu.yield
    }) : () -> ()
    %scan3A_331 = arith.constant 0 : i32
    %scan3A_332 = arith.constant 0 : i32
    %scan3A_333 = arith.constant 16 : i32
    %scan3A_334 = arith.addi %scan3A_332, %scan3A_333 : i32
    %scan3A_335 = arith.constant 1 : i32
    %scan3A_336 = scf.for %scan3A_421 = %scan3A_332 to %scan3A_334 step %scan3A_335 iter_args(%scan3A_422 = %scan3A_331) -> (i32)  : i32 {
      %mul3A_423 = arith.constant 16 : i32
      %mul3A_424 = arith.muli %scan3A_421, %mul3A_423 : i32
      %get3A = arith.index_cast %mul3A_424 : i32 to index
      %get3A_425 = tpu.vector_load %arg7[%get3A] {strides = array<i32>} : memref<256xi32, #tpu.memory_space<vmem>>, vector<16xi32>,
      %get3A_426 = vector.shape_cast %get3A_425 : vector<16xi32> to vector<16xi32>
      %add3A_427 = arith.addi %get3A_426, %mul3A_23 : vector<16xi32>
      %swap3A = arith.index_cast %mul3A_424 : i32 to index
      %swap3A_428 = tpu.vector_load %arg7[%swap3A] {strides = array<i32>} : memref<256xi32, #tpu.memory_space<vmem>>, vector<16xi32>,
      %swap3A_429 = vector.shape_cast %swap3A_428 : vector<16xi32> to vector<16xi32>
      %swap3A_430 = vector.shape_cast %add3A_427 : vector<16xi32> to vector<16xi32>
      tpu.vector_store %arg7[%swap3A], %swap3A_430 {strides = array<i32>} : memref<256xi32, #tpu.memory_space<vmem>>, vector<16xi32>,
      %scan3A_431 = arith.constant 0 : i32
      scf.yield %scan3A_431 : i32
    }
    %scan3A_337 = arith.constant 16 : i32
    %dma_wait3A_338 = arith.constant 0 : i32
    %dma_wait3A_339 = tpu.memref_slice %arg4[%add3A_324, %dma_wait3A_338] : memref<131072x128xf32, #tpu.memory_space<hbm>> -> memref<256x128xf32, #tpu.memory_space<hbm>>
    %dma_wait3A_340 = arith.constant 0 : i32
    %dma_wait3A_341 = tpu.memref_slice %arg4[%add3A_324, %dma_wait3A_340] : memref<131072x128xf32, #tpu.memory_space<hbm>> -> memref<256x128xf32, #tpu.memory_space<hbm>>
    tpu.wait_dma2 semaphore(%arg13 : memref<!tpu.dma_semaphore, #tpu.memory_space<semaphore_mem>>) src(%arg9 : memref<256x128xf32, #tpu.memory_space<vmem>>) dst(%dma_wait3A_341 : memref<256x128xf32, #tpu.memory_space<hbm>>)
    %dma_start3A_342 = arith.constant 0 : i32
    %dma_start3A_343 = arith.constant 0 : i32
    %dma_start3A_344 = tpu.memref_slice %arg5[%dma_start3A_342, %dma_start3A_343] : memref<520x128xf32, #tpu.memory_space<vmem_shared>> -> memref<520x128xf32, #tpu.memory_space<vmem_shared>>
    tpu.enqueue_indirect_dma source(%dma_start3A_344 : memref<520x128xf32, #tpu.memory_space<vmem_shared>>) target(%arg9 : memref<256x128xf32, #tpu.memory_space<vmem>>) offsets(%arg7 : memref<256xi32, #tpu.memory_space<vmem>>) semaphore(%arg11 : memref<!tpu.dma_semaphore, #tpu.memory_space<semaphore_mem>>)
    %dma_wait3A_345 = arith.constant 0 : i32
    %dma_wait3A_346 = arith.constant 0 : i32
    %dma_wait3A_347 = tpu.memref_slice %arg5[%dma_wait3A_345, %dma_wait3A_346] : memref<520x128xf32, #tpu.memory_space<vmem_shared>> -> memref<520x128xf32, #tpu.memory_space<vmem_shared>>
    tpu.wait_indirect_dma semaphore(%arg10 : memref<!tpu.dma_semaphore, #tpu.memory_space<semaphore_mem>>) src(%dma_wait3A_347 : memref<520x128xf32, #tpu.memory_space<vmem_shared>>) dst(%arg8 : memref<256x128xf32, #tpu.memory_space<vmem>>)
    %add3A_348 = arith.constant 3072 : i32
    %add3A_349 = arith.addi %mul3A_2, %add3A_348 : i32
    %dma_start3A_350 = arith.constant 0 : i32
    %dma_start3A_351 = tpu.memref_slice %arg4[%add3A_349, %dma_start3A_350] : memref<131072x128xf32, #tpu.memory_space<hbm>> -> memref<256x128xf32, #tpu.memory_space<hbm>>
    %dma_start3A_352 = arith.constant 0 : i32
    %dma_start3A_353 = tpu.memref_slice %arg4[%add3A_349, %dma_start3A_352] : memref<131072x128xf32, #tpu.memory_space<hbm>> -> memref<256x128xf32, #tpu.memory_space<hbm>>
    tpu.enqueue_dma source(%arg8 : memref<256x128xf32, #tpu.memory_space<vmem>>) target(%dma_start3A_353 : memref<256x128xf32, #tpu.memory_space<hbm>>) target_semaphore(%arg12 : memref<!tpu.dma_semaphore, #tpu.memory_space<semaphore_mem>>)
    %add3A_354 = arith.constant 3584 : i32
    %add3A_355 = arith.addi %mul3A_2, %add3A_354 : i32
    "tpu.region"() ({
      %run_scoped3A = tpu.sem_alloc : memref<!tpu.dma_semaphore, #tpu.memory_space<semaphore_mem>>
      %dma_start3A_421 = tpu.memref_slice %arg3[%add3A_355] : memref<131072xi32, #tpu.memory_space<hbm>> -> memref<256xi32, #tpu.memory_space<hbm>>
      %dma_start3A_422 = tpu.memref_slice %arg3[%add3A_355] : memref<131072xi32, #tpu.memory_space<hbm>> -> memref<256xi32, #tpu.memory_space<hbm>>
      tpu.enqueue_dma source(%dma_start3A_422 : memref<256xi32, #tpu.memory_space<hbm>>) target(%arg6 : memref<256xi32, #tpu.memory_space<vmem>>) target_semaphore(%run_scoped3A : memref<!tpu.dma_semaphore, #tpu.memory_space<semaphore_mem>>)
      %dma_wait3A_423 = tpu.memref_slice %arg3[%add3A_355] : memref<131072xi32, #tpu.memory_space<hbm>> -> memref<256xi32, #tpu.memory_space<hbm>>
      %dma_wait3A_424 = tpu.memref_slice %arg3[%add3A_355] : memref<131072xi32, #tpu.memory_space<hbm>> -> memref<256xi32, #tpu.memory_space<hbm>>
      tpu.wait_dma2 semaphore(%run_scoped3A : memref<!tpu.dma_semaphore, #tpu.memory_space<semaphore_mem>>) src(%dma_wait3A_424 : memref<256xi32, #tpu.memory_space<hbm>>) dst(%arg6 : memref<256xi32, #tpu.memory_space<vmem>>)
      tpu.yield
    }) : () -> ()
    %scan3A_356 = arith.constant 0 : i32
    %scan3A_357 = arith.constant 0 : i32
    %scan3A_358 = arith.constant 16 : i32
    %scan3A_359 = arith.addi %scan3A_357, %scan3A_358 : i32
    %scan3A_360 = arith.constant 1 : i32
    %scan3A_361 = scf.for %scan3A_421 = %scan3A_357 to %scan3A_359 step %scan3A_360 iter_args(%scan3A_422 = %scan3A_356) -> (i32)  : i32 {
      %mul3A_423 = arith.constant 16 : i32
      %mul3A_424 = arith.muli %scan3A_421, %mul3A_423 : i32
      %get3A = arith.index_cast %mul3A_424 : i32 to index
      %get3A_425 = tpu.vector_load %arg6[%get3A] {strides = array<i32>} : memref<256xi32, #tpu.memory_space<vmem>>, vector<16xi32>,
      %get3A_426 = vector.shape_cast %get3A_425 : vector<16xi32> to vector<16xi32>
      %add3A_427 = arith.addi %get3A_426, %mul3A_23 : vector<16xi32>
      %swap3A = arith.index_cast %mul3A_424 : i32 to index
      %swap3A_428 = tpu.vector_load %arg6[%swap3A] {strides = array<i32>} : memref<256xi32, #tpu.memory_space<vmem>>, vector<16xi32>,
      %swap3A_429 = vector.shape_cast %swap3A_428 : vector<16xi32> to vector<16xi32>
      %swap3A_430 = vector.shape_cast %add3A_427 : vector<16xi32> to vector<16xi32>
      tpu.vector_store %arg6[%swap3A], %swap3A_430 {strides = array<i32>} : memref<256xi32, #tpu.memory_space<vmem>>, vector<16xi32>,
      %scan3A_431 = arith.constant 0 : i32
      scf.yield %scan3A_431 : i32
    }
    %scan3A_362 = arith.constant 16 : i32
    %dma_wait3A_363 = arith.constant 0 : i32
    %dma_wait3A_364 = tpu.memref_slice %arg4[%add3A_349, %dma_wait3A_363] : memref<131072x128xf32, #tpu.memory_space<hbm>> -> memref<256x128xf32, #tpu.memory_space<hbm>>
    %dma_wait3A_365 = arith.constant 0 : i32
    %dma_wait3A_366 = tpu.memref_slice %arg4[%add3A_349, %dma_wait3A_365] : memref<131072x128xf32, #tpu.memory_space<hbm>> -> memref<256x128xf32, #tpu.memory_space<hbm>>
    tpu.wait_dma2 semaphore(%arg12 : memref<!tpu.dma_semaphore, #tpu.memory_space<semaphore_mem>>) src(%arg8 : memref<256x128xf32, #tpu.memory_space<vmem>>) dst(%dma_wait3A_366 : memref<256x128xf32, #tpu.memory_space<hbm>>)
    %dma_start3A_367 = arith.constant 0 : i32
    %dma_start3A_368 = arith.constant 0 : i32
    %dma_start3A_369 = tpu.memref_slice %arg5[%dma_start3A_367, %dma_start3A_368] : memref<520x128xf32, #tpu.memory_space<vmem_shared>> -> memref<520x128xf32, #tpu.memory_space<vmem_shared>>
    tpu.enqueue_indirect_dma source(%dma_start3A_369 : memref<520x128xf32, #tpu.memory_space<vmem_shared>>) target(%arg8 : memref<256x128xf32, #tpu.memory_space<vmem>>) offsets(%arg6 : memref<256xi32, #tpu.memory_space<vmem>>) semaphore(%arg10 : memref<!tpu.dma_semaphore, #tpu.memory_space<semaphore_mem>>)
    %dma_wait3A_370 = arith.constant 0 : i32
    %dma_wait3A_371 = arith.constant 0 : i32
    %dma_wait3A_372 = tpu.memref_slice %arg5[%dma_wait3A_370, %dma_wait3A_371] : memref<520x128xf32, #tpu.memory_space<vmem_shared>> -> memref<520x128xf32, #tpu.memory_space<vmem_shared>>
    tpu.wait_indirect_dma semaphore(%arg11 : memref<!tpu.dma_semaphore, #tpu.memory_space<semaphore_mem>>) src(%dma_wait3A_372 : memref<520x128xf32, #tpu.memory_space<vmem_shared>>) dst(%arg9 : memref<256x128xf32, #tpu.memory_space<vmem>>)
    %add3A_373 = arith.constant 3328 : i32
    %add3A_374 = arith.addi %mul3A_2, %add3A_373 : i32
    %dma_start3A_375 = arith.constant 0 : i32
    %dma_start3A_376 = tpu.memref_slice %arg4[%add3A_374, %dma_start3A_375] : memref<131072x128xf32, #tpu.memory_space<hbm>> -> memref<256x128xf32, #tpu.memory_space<hbm>>
    %dma_start3A_377 = arith.constant 0 : i32
    %dma_start3A_378 = tpu.memref_slice %arg4[%add3A_374, %dma_start3A_377] : memref<131072x128xf32, #tpu.memory_space<hbm>> -> memref<256x128xf32, #tpu.memory_space<hbm>>
    tpu.enqueue_dma source(%arg9 : memref<256x128xf32, #tpu.memory_space<vmem>>) target(%dma_start3A_378 : memref<256x128xf32, #tpu.memory_space<hbm>>) target_semaphore(%arg13 : memref<!tpu.dma_semaphore, #tpu.memory_space<semaphore_mem>>)
    %add3A_379 = arith.constant 3840 : i32
    %add3A_380 = arith.addi %mul3A_2, %add3A_379 : i32
    "tpu.region"() ({
      %run_scoped3A = tpu.sem_alloc : memref<!tpu.dma_semaphore, #tpu.memory_space<semaphore_mem>>
      %dma_start3A_421 = tpu.memref_slice %arg3[%add3A_380] : memref<131072xi32, #tpu.memory_space<hbm>> -> memref<256xi32, #tpu.memory_space<hbm>>
      %dma_start3A_422 = tpu.memref_slice %arg3[%add3A_380] : memref<131072xi32, #tpu.memory_space<hbm>> -> memref<256xi32, #tpu.memory_space<hbm>>
      tpu.enqueue_dma source(%dma_start3A_422 : memref<256xi32, #tpu.memory_space<hbm>>) target(%arg7 : memref<256xi32, #tpu.memory_space<vmem>>) target_semaphore(%run_scoped3A : memref<!tpu.dma_semaphore, #tpu.memory_space<semaphore_mem>>)
      %dma_wait3A_423 = tpu.memref_slice %arg3[%add3A_380] : memref<131072xi32, #tpu.memory_space<hbm>> -> memref<256xi32, #tpu.memory_space<hbm>>
      %dma_wait3A_424 = tpu.memref_slice %arg3[%add3A_380] : memref<131072xi32, #tpu.memory_space<hbm>> -> memref<256xi32, #tpu.memory_space<hbm>>
      tpu.wait_dma2 semaphore(%run_scoped3A : memref<!tpu.dma_semaphore, #tpu.memory_space<semaphore_mem>>) src(%dma_wait3A_424 : memref<256xi32, #tpu.memory_space<hbm>>) dst(%arg7 : memref<256xi32, #tpu.memory_space<vmem>>)
      tpu.yield
    }) : () -> ()
    %scan3A_381 = arith.constant 0 : i32
    %scan3A_382 = arith.constant 0 : i32
    %scan3A_383 = arith.constant 16 : i32
    %scan3A_384 = arith.addi %scan3A_382, %scan3A_383 : i32
    %scan3A_385 = arith.constant 1 : i32
    %scan3A_386 = scf.for %scan3A_421 = %scan3A_382 to %scan3A_384 step %scan3A_385 iter_args(%scan3A_422 = %scan3A_381) -> (i32)  : i32 {
      %mul3A_423 = arith.constant 16 : i32
      %mul3A_424 = arith.muli %scan3A_421, %mul3A_423 : i32
      %get3A = arith.index_cast %mul3A_424 : i32 to index
      %get3A_425 = tpu.vector_load %arg7[%get3A] {strides = array<i32>} : memref<256xi32, #tpu.memory_space<vmem>>, vector<16xi32>,
      %get3A_426 = vector.shape_cast %get3A_425 : vector<16xi32> to vector<16xi32>
      %add3A_427 = arith.addi %get3A_426, %mul3A_23 : vector<16xi32>
      %swap3A = arith.index_cast %mul3A_424 : i32 to index
      %swap3A_428 = tpu.vector_load %arg7[%swap3A] {strides = array<i32>} : memref<256xi32, #tpu.memory_space<vmem>>, vector<16xi32>,
      %swap3A_429 = vector.shape_cast %swap3A_428 : vector<16xi32> to vector<16xi32>
      %swap3A_430 = vector.shape_cast %add3A_427 : vector<16xi32> to vector<16xi32>
      tpu.vector_store %arg7[%swap3A], %swap3A_430 {strides = array<i32>} : memref<256xi32, #tpu.memory_space<vmem>>, vector<16xi32>,
      %scan3A_431 = arith.constant 0 : i32
      scf.yield %scan3A_431 : i32
    }
    %scan3A_387 = arith.constant 16 : i32
    %dma_wait3A_388 = arith.constant 0 : i32
    %dma_wait3A_389 = tpu.memref_slice %arg4[%add3A_374, %dma_wait3A_388] : memref<131072x128xf32, #tpu.memory_space<hbm>> -> memref<256x128xf32, #tpu.memory_space<hbm>>
    %dma_wait3A_390 = arith.constant 0 : i32
    %dma_wait3A_391 = tpu.memref_slice %arg4[%add3A_374, %dma_wait3A_390] : memref<131072x128xf32, #tpu.memory_space<hbm>> -> memref<256x128xf32, #tpu.memory_space<hbm>>
    tpu.wait_dma2 semaphore(%arg13 : memref<!tpu.dma_semaphore, #tpu.memory_space<semaphore_mem>>) src(%arg9 : memref<256x128xf32, #tpu.memory_space<vmem>>) dst(%dma_wait3A_391 : memref<256x128xf32, #tpu.memory_space<hbm>>)
    %dma_start3A_392 = arith.constant 0 : i32
    %dma_start3A_393 = arith.constant 0 : i32
    %dma_start3A_394 = tpu.memref_slice %arg5[%dma_start3A_392, %dma_start3A_393] : memref<520x128xf32, #tpu.memory_space<vmem_shared>> -> memref<520x128xf32, #tpu.memory_space<vmem_shared>>
    tpu.enqueue_indirect_dma source(%dma_start3A_394 : memref<520x128xf32, #tpu.memory_space<vmem_shared>>) target(%arg9 : memref<256x128xf32, #tpu.memory_space<vmem>>) offsets(%arg7 : memref<256xi32, #tpu.memory_space<vmem>>) semaphore(%arg11 : memref<!tpu.dma_semaphore, #tpu.memory_space<semaphore_mem>>)
    %dma_wait3A_395 = arith.constant 0 : i32
    %dma_wait3A_396 = arith.constant 0 : i32
    %dma_wait3A_397 = tpu.memref_slice %arg5[%dma_wait3A_395, %dma_wait3A_396] : memref<520x128xf32, #tpu.memory_space<vmem_shared>> -> memref<520x128xf32, #tpu.memory_space<vmem_shared>>
    tpu.wait_indirect_dma semaphore(%arg10 : memref<!tpu.dma_semaphore, #tpu.memory_space<semaphore_mem>>) src(%dma_wait3A_397 : memref<520x128xf32, #tpu.memory_space<vmem_shared>>) dst(%arg8 : memref<256x128xf32, #tpu.memory_space<vmem>>)
    %add3A_398 = arith.constant 3584 : i32
    %add3A_399 = arith.addi %mul3A_2, %add3A_398 : i32
    %dma_start3A_400 = arith.constant 0 : i32
    %dma_start3A_401 = tpu.memref_slice %arg4[%add3A_399, %dma_start3A_400] : memref<131072x128xf32, #tpu.memory_space<hbm>> -> memref<256x128xf32, #tpu.memory_space<hbm>>
    %dma_start3A_402 = arith.constant 0 : i32
    %dma_start3A_403 = tpu.memref_slice %arg4[%add3A_399, %dma_start3A_402] : memref<131072x128xf32, #tpu.memory_space<hbm>> -> memref<256x128xf32, #tpu.memory_space<hbm>>
    tpu.enqueue_dma source(%arg8 : memref<256x128xf32, #tpu.memory_space<vmem>>) target(%dma_start3A_403 : memref<256x128xf32, #tpu.memory_space<hbm>>) target_semaphore(%arg12 : memref<!tpu.dma_semaphore, #tpu.memory_space<semaphore_mem>>)
    %dma_wait3A_404 = arith.constant 0 : i32
    %dma_wait3A_405 = arith.constant 0 : i32
    %dma_wait3A_406 = tpu.memref_slice %arg5[%dma_wait3A_404, %dma_wait3A_405] : memref<520x128xf32, #tpu.memory_space<vmem_shared>> -> memref<520x128xf32, #tpu.memory_space<vmem_shared>>
    tpu.wait_indirect_dma semaphore(%arg11 : memref<!tpu.dma_semaphore, #tpu.memory_space<semaphore_mem>>) src(%dma_wait3A_406 : memref<520x128xf32, #tpu.memory_space<vmem_shared>>) dst(%arg9 : memref<256x128xf32, #tpu.memory_space<vmem>>)
    %add3A_407 = arith.constant 3840 : i32
    %add3A_408 = arith.addi %mul3A_2, %add3A_407 : i32
    %dma_start3A_409 = arith.constant 0 : i32
    %dma_start3A_410 = tpu.memref_slice %arg4[%add3A_408, %dma_start3A_409] : memref<131072x128xf32, #tpu.memory_space<hbm>> -> memref<256x128xf32, #tpu.memory_space<hbm>>
    %dma_start3A_411 = arith.constant 0 : i32
    %dma_start3A_412 = tpu.memref_slice %arg4[%add3A_408, %dma_start3A_411] : memref<131072x128xf32, #tpu.memory_space<hbm>> -> memref<256x128xf32, #tpu.memory_space<hbm>>
    tpu.enqueue_dma source(%arg9 : memref<256x128xf32, #tpu.memory_space<vmem>>) target(%dma_start3A_412 : memref<256x128xf32, #tpu.memory_space<hbm>>) target_semaphore(%arg13 : memref<!tpu.dma_semaphore, #tpu.memory_space<semaphore_mem>>)
    %dma_wait3A_413 = arith.constant 0 : i32
    %dma_wait3A_414 = tpu.memref_slice %arg4[%add3A_399, %dma_wait3A_413] : memref<131072x128xf32, #tpu.memory_space<hbm>> -> memref<256x128xf32, #tpu.memory_space<hbm>>
    %dma_wait3A_415 = arith.constant 0 : i32
    %dma_wait3A_416 = tpu.memref_slice %arg4[%add3A_399, %dma_wait3A_415] : memref<131072x128xf32, #tpu.memory_space<hbm>> -> memref<256x128xf32, #tpu.memory_space<hbm>>
    tpu.wait_dma2 semaphore(%arg12 : memref<!tpu.dma_semaphore, #tpu.memory_space<semaphore_mem>>) src(%arg8 : memref<256x128xf32, #tpu.memory_space<vmem>>) dst(%dma_wait3A_416 : memref<256x128xf32, #tpu.memory_space<hbm>>)
    %dma_wait3A_417 = arith.constant 0 : i32
    %dma_wait3A_418 = tpu.memref_slice %arg4[%add3A_408, %dma_wait3A_417] : memref<131072x128xf32, #tpu.memory_space<hbm>> -> memref<256x128xf32, #tpu.memory_space<hbm>>
    %dma_wait3A_419 = arith.constant 0 : i32
    %dma_wait3A_420 = tpu.memref_slice %arg4[%add3A_408, %dma_wait3A_419] : memref<131072x128xf32, #tpu.memory_space<hbm>> -> memref<256x128xf32, #tpu.memory_space<hbm>>
    tpu.wait_dma2 semaphore(%arg13 : memref<!tpu.dma_semaphore, #tpu.memory_space<semaphore_mem>>) src(%arg9 : memref<256x128xf32, #tpu.memory_space<vmem>>) dst(%dma_wait3A_420 : memref<256x128xf32, #tpu.memory_space<hbm>>)
    return
  }
}

module attributes {stable_mosaic.version = 14 : i64} {
  func.func @_table_body(%arg0: memref<65x32xf32, #tpu.memory_space<vmem>>, %arg1: memref<8x32xf32, #tpu.memory_space<vmem>>, %arg2: memref<32x65xf32, #tpu.memory_space<vmem>>, %arg3: memref<1x65xf32, #tpu.memory_space<vmem>>, %arg4: memref<8x65x128xf32, #tpu.memory_space<vmem>>) attributes {dimension_semantics = [], scalar_prefetch = 0 : i64, scratch_operands = 0 : i64, tpu.core_type = #tpu.core_type<tc>} {
    %get3A = arith.constant 0 : index
    %get3A_0 = arith.constant 0 : index
    %get3A_1 = vector.load %arg0[%get3A, %get3A_0] : memref<65x32xf32, #tpu.memory_space<vmem>>, vector<65x32xf32>
    %get3A_2 = arith.constant 0 : index
    %get3A_3 = arith.constant 0 : index
    %get3A_4 = vector.load %arg2[%get3A_2, %get3A_3] : memref<32x65xf32, #tpu.memory_space<vmem>>, vector<32x65xf32>
    %dot_general3A = arith.constant dense<0.000000e+00> : vector<65x65xf32>
    %dot_general3A_5 = tpu.matmul %get3A_1, %get3A_4, %dot_general3A {dimension_numbers = #tpu.dot_dimension_numbers<[1], [0], [0], [1], [0, 0, 1, 1], [], []>, transpose_lhs_hint = false} : vector<65x32xf32>, vector<32x65xf32>, vector<65x65xf32> -> vector<65x65xf32>
    %get3A_6 = arith.constant 0 : index
    %get3A_7 = arith.constant 0 : index
    %get3A_8 = vector.load %arg1[%get3A_6, %get3A_7] : memref<8x32xf32, #tpu.memory_space<vmem>>, vector<8x32xf32>
    %get3A_9 = arith.constant 0 : index
    %get3A_10 = arith.constant 0 : index
    %get3A_11 = vector.load %arg2[%get3A_9, %get3A_10] : memref<32x65xf32, #tpu.memory_space<vmem>>, vector<32x65xf32>
    %dot_general3A_12 = arith.constant dense<0.000000e+00> : vector<8x65xf32>
    %dot_general3A_13 = tpu.matmul %get3A_8, %get3A_11, %dot_general3A_12 {dimension_numbers = #tpu.dot_dimension_numbers<[1], [0], [0], [1], [0, 0, 1, 1], [], []>, transpose_lhs_hint = false} : vector<8x32xf32>, vector<32x65xf32>, vector<8x65xf32> -> vector<8x65xf32>
    %get3A_14 = arith.constant 0 : index
    %get3A_15 = arith.constant 0 : index
    %get3A_16 = vector.load %arg3[%get3A_14, %get3A_15] : memref<1x65xf32, #tpu.memory_space<vmem>>, vector<1x65xf32>
    %add3A = vector.broadcast %get3A_16 : vector<1x65xf32> to vector<8x65xf32>
    %add3A_17 = arith.addf %dot_general3A_13, %add3A : vector<8x65xf32>
    %broadcast_in_dim3A = vector.shape_cast %add3A_17 : vector<8x65xf32> to vector<8x1x65xf32>
    %broadcast_in_dim3A_18 = vector.shape_cast %dot_general3A_5 : vector<65x65xf32> to vector<1x65x65xf32>
    %add3A_19 = vector.broadcast %broadcast_in_dim3A : vector<8x1x65xf32> to vector<8x65x65xf32>
    %add3A_20 = vector.broadcast %broadcast_in_dim3A_18 : vector<1x65x65xf32> to vector<8x65x65xf32>
    %add3A_21 = arith.addf %add3A_19, %add3A_20 : vector<8x65x65xf32>
    %swap3A = arith.constant 0 : index
    %swap3A_22 = arith.constant 0 : index
    %swap3A_23 = arith.constant 0 : index
    %swap3A_24 = vector.load %arg4[%swap3A, %swap3A_22, %swap3A_23] : memref<8x65x128xf32, #tpu.memory_space<vmem>>, vector<8x65x65xf32>
    tpu.vector_store %arg4[%swap3A, %swap3A_22, %swap3A_23], %add3A_21 {strides = array<i32>} : memref<8x65x128xf32, #tpu.memory_space<vmem>>, vector<8x65x65xf32>,
    %broadcast_in_dim3A_25 = arith.constant 0.000000e+00 : f32
    %broadcast_in_dim3A_26 = vector.broadcast %broadcast_in_dim3A_25 : f32 to vector<8x65x63xf32>
    %swap3A_27 = arith.constant 0 : index
    %swap3A_28 = arith.constant 0 : index
    %swap3A_29 = arith.constant 65 : index
    %swap3A_30 = vector.load %arg4[%swap3A_27, %swap3A_28, %swap3A_29] : memref<8x65x128xf32, #tpu.memory_space<vmem>>, vector<8x65x63xf32>
    tpu.vector_store %arg4[%swap3A_27, %swap3A_28, %swap3A_29], %broadcast_in_dim3A_26 {strides = array<i32>} : memref<8x65x128xf32, #tpu.memory_space<vmem>>, vector<8x65x63xf32>,
    return
  }
}

</mosaic_0001>

<sc_bundles>
// kernel: kernel.4.cloned.1.call-start
scs
__scs_entry_jumppad:
0x0: {  	(pc) =	sbr.rel $0x88, $3  }
0x1: {  	(tag) =	ssettag $0x0;
	lr =	simm.s32 $0x1  }
0x2: {  	[smem:$0x3F9C] =	sst lr;
	_ =	strace $0xD0000000  }
0x3: {  	_ = 	snop  }
0x4: {  	_ = 	snop  }
0x5: {  	_ = 	snop  }
0x6: {  	_ = 	snop  }
0x7: {  	_ = 	snop  }
__scs_overlays_trampoline_lowered:
0x8: {  	[smem:$0x3FAB] =	sst s0  }
0x9: {  	[smem:$0x3FAC] =	sst s1  }
0xa: {  	[smem:$0x3FAD] =	sst s2  }
0xb: {  	[smem:$0x3FAE] =	sst s3  }
0xc: {  	[smem:$0x3FAF] =	sst s4  }
0xd: {  	[smem:$0x3FB0] =	sst s5  }
0xe: {  	[smem:$0x3FB1] =	sst s6  }
0xf: {  	[smem:$0x3FB2] =	sst s7  }
0x10: {  	[smem:$0x3FB3] =	sst s8  }
0x11: {  	[smem:$0x3FB4] =	sst s9;
	s0 =	simm.s32 @!p0 $0x0  }
0x12: {  	s1 =	sld [smem:$0x3F9A];
	s0 =	simm.s32 @p0 $0x1  }
0x13: {  	[smem:$0x3FB5] =	sst s0;
	s0 =	simm.s32 @!p1 $0x0  }
0x14: {  	s2 =	sld [smem:$0x3F99];
	s0 =	simm.s32 @p1 $0x1  }
0x15: {  	[smem:$0x3FB6] =	sst s0;
	s0 =	simm.s32 @!p2 $0x0  }
0x16: {  	s3 =	sld [smem:$0x3FDB];
	s0 =	simm.s32 @p2 $0x1  }
0x17: {  	s4 =	simm.s32 $0x1BF5;
	[smem:$0x3FB8] =	sst s0  }
0x18: {  	s0 =	sld [smem:$0x3F9B];
	_ =	swait.ge [sflag:s4], $0x0  }
0x19: {  	s7 =	sld [smem:$0x3F9C]  }
0x1a: {  	s8 =	sadd.s32 $0xFFFFE003, lr  }
0x1b: {  	s9 =	sadd.s32 $0xFFFFFEF7, lr;
	s5 =	simm.s32 $0xFFFFFFFF;
	p2 =	slt.u32 s8, $0xFFFFF086  }
0x1c: {  	p1 =	slt.u32 s9, $0xF7A;
	s5 =	simm.s32 @!p2 $0x0  }
0x1d: {  	s5 =	simm.s32 @p1 $0x1;
	p0 =	seq.s32 s7, s2  }
0x1e: {  	s7 =	smul.u32 @!p0 $0xF7A, s2;
	p2 =	seq.s32 @!p0 s5, $0x0  }
0x1f: {  	s9 =	smul.u32 $0xF7A, s1;
	s8 =	simm.s32 @!p0 $0x1BF5;
	p2 =	por !p2, p0  }
0x20: {  	[sflag:s8] =	ssyncset.s32 @!p0 $0xFFFFF086;
	s6 =	sadd.s32 @!p0 s3, s7;
	s7 =	simm.s32 @!p0 $0x108  }
0x21: {  	s3 =	sadd.s32 s3, s9;
	s6 =	sadd.s32 @!p0 $0x88, s6;
	s7 =	simm.s32 @p2 $0x1082  }
0x22: {  	[simem:s7], [sflag:s8] =	dma.local @!p0 [hbm:s6], $0xF7A  }
0x23: {  	s9 =	sor.u32 $0xD0000000, s2;
	s6 =	simm.s32 $0x108;
	_ =	swait.ge @!p0 [sflag:s8], $0x0  }
0x24: {  	s3 =	sadd.s32 $0x88, s3;
	s6 =	simm.s32 @!p1 $0x1082;
	[sflag:s4] =	ssyncset.s32 $0xFFFFF086  }
0x25: {  	[simem:s6], [sflag:s4] =	dma.local [hbm:s3], $0xF7A  }
0x26: {  	[smem:$0x3F9C] =	sst s1;
	(tag) =	ssettag s2;
	_ =	strace s9  }
0x27: {  	s1 =	sld [smem:$0x3FAC]  }
0x28: {  	s2 =	sld [smem:$0x3FAD]  }
0x29: {  	s4 =	sld [smem:$0x3FAF]  }
0x2a: {  	p0 =	seq.s32 s5, $0x0;
	s5 =	sld [smem:$0x3FB0]  }
0x2b: {  	s6 =	sld [smem:$0x3FB1]  }
0x2c: {  	s7 =	sld [smem:$0x3FB2]  }
0x2d: {  	s3 =	simm.s32 $0x108;
	s8 =	sld [smem:$0x3FB3]  }
0x2e: {  	s3 =	simm.s32 @!p0 $0x1082;
	s9 =	sld [smem:$0x3FB4]  }
0x2f: {  	lr =	sadd.s32 s0, s3;
	s0 =	sld [smem:$0x3FAB]  }
0x30: {  	s3 =	sld [smem:$0x3FAE]  }
0x31: {  	[smem:$0x3FB7] =	sst s10  }
0x32: {  	s10 =	sld [smem:$0x3FB5];
	_ =	sdelay $0x3  }
0x33: {  	p0 =	seq.s32 s10, $0x1;
	s10 =	sld [smem:$0x3FB7];
	_ =	sdelay $0x3  }
0x34: {  	[smem:$0x3FB7] =	sst s10  }
0x35: {  	s10 =	sld [smem:$0x3FB6];
	_ =	sdelay $0x3  }
0x36: {  	p1 =	seq.s32 s10, $0x1;
	s10 =	sld [smem:$0x3FB7];
	_ =	sdelay $0x3  }
0x37: {  	[smem:$0x3FB7] =	sst s10  }
0x38: {  	s10 =	sld [smem:$0x3FB8]  }
0x39: {  	_ = 	snop;
	(pc) =	sbr.ind lr, $3  }
0x3a: {  	_ = 	snop  }
0x3b: {  	_ = 	snop  }
0x3c: {  	p2 =	seq.s32 s10, $0x1;
	s10 =	sld [smem:$0x3FB7]  }
0x3d: {  	_ =	shalt  }
0x3e: {  	_ =	shalt  }
0x3f: {  	_ =	shalt  }
0x40: {  	_ =	shalt  }
0x41: {  	_ =	shalt  }
0x42: {  	_ =	shalt  }
0x43: {  	_ =	shalt  }
0x44: {  	_ =	shalt  }
0x45: {  	_ =	shalt  }
0x46: {  	_ =	shalt  }
0x47: {  	_ =	shalt  }
0x48: {  	_ =	shalt  }
0x49: {  	_ =	shalt  }
0x4a: {  	_ =	shalt  }
0x4b: {  	_ =	shalt  }
0x4c: {  	_ =	shalt  }
0x4d: {  	_ =	shalt  }
0x4e: {  	_ =	shalt  }
0x4f: {  	_ =	shalt  }
0x50: {  	_ =	shalt  }
0x51: {  	_ =	shalt  }
0x52: {  	_ =	shalt  }
0x53: {  	_ =	shalt  }
0x54: {  	_ =	shalt  }
0x55: {  	_ =	shalt  }
0x56: {  	_ =	shalt  }
0x57: {  	_ =	shalt  }
0x58: {  	_ =	shalt  }
0x59: {  	_ =	shalt  }
0x5a: {  	_ =	shalt  }
0x5b: {  	_ =	shalt  }
0x5c: {  	_ =	shalt  }
0x5d: {  	_ =	shalt  }
0x5e: {  	_ =	shalt  }
0x5f: {  	_ =	shalt  }
0x60: {  	_ =	shalt  }
0x61: {  	_ =	shalt  }
0x62: {  	_ =	shalt  }
0x63: {  	_ =	shalt  }
0x64: {  	_ =	shalt  }
0x65: {  	_ =	shalt  }
0x66: {  	_ =	shalt  }
0x67: {  	_ =	shalt  }
0x68: {  	_ =	shalt  }
0x69: {  	_ =	shalt  }
0x6a: {  	_ =	shalt  }
0x6b: {  	_ =	shalt  }
0x6c: {  	_ =	shalt  }
0x6d: {  	_ =	shalt  }
0x6e: {  	_ =	shalt  }
0x6f: {  	_ =	shalt  }
0x70: {  	_ =	shalt  }
0x71: {  	_ =	shalt  }
0x72: {  	_ =	shalt  }
0x73: {  	_ =	shalt  }
0x74: {  	_ =	shalt  }
0x75: {  	_ =	shalt  }
0x76: {  	_ =	shalt  }
0x77: {  	_ =	shalt  }
0x78: {  	_ =	shalt  }
0x79: {  	_ =	shalt  }
0x7a: {  	_ =	shalt  }
0x7b: {  	_ =	shalt  }
0x7c: {  	_ =	shalt  }
0x7d: {  	_ =	shalt  }
0x7e: {  	_ =	shalt  }
0x7f: {  	_ =	shalt  }
0x80: {  	_ =	shalt  }
0x81: {  	_ =	shalt  }
0x82: {  	_ =	shalt  }
0x83: {  	_ =	shalt  }
0x84: {  	_ =	shalt  }
0x85: {  	_ =	shalt  }
0x86: {  	_ =	shalt  }
0x87: {  	_ =	shalt  }
.Lfunc_end0:
.L_simem_size_0:
called_computation.1_lowered:
.L_overlay_start_0:
0x88: {  	s2 =	sld [smem:$0x3FD9]  }
0x89: {  	s3 =	sld [smem:$0x3FFE];
	_ =	sdelay $0x1  }
0x8a: {  	s1 =	srdreg.scid  }
0x8b: {  	s0 =	sand.u32 $0x1, s1  }
0x8c: {  	s17 =	sshll.u32 s0, $0xA;
	s2 =	sadd.s32 s3, s2  }
0x8d: {  	s2 =	sadd.s32 s2, s17  }
0x8e: {  	[smem:$0x3FC3] =	sst s2  }
0x8f: {  	_ = 	snop  }
0x90: {  	s2 =	sld [smem:$0x3FD0];
	(tm) =	ssettm $0x1  }
0x91: {  	s18 =	sld [smem:$0x3FFB];
	_ =	sdelay $0x3  }
0x92: {  	_ =	strace s18  }
0x93: {  	s3 =	sld [smem:$0x3FFC];
	_ =	sdelay $0x3  }
0x94: {  	_ =	strace s3  }
0x95: {  	s3 =	sld [smem:$0x3FFD];
	_ =	sdelay $0x3  }
0x96: {  	_ =	strace s3  }
0x97: {  	_ =	strace $0x8FFFFFFF  }
0x98: {  	s19 =	sld [smem:$0x3FDB];
	_ =	sdelay $0x1  }
0x99: {  	s4 =	simm.s32 $_scs_section_size  }
0x9a: {  	s5 =	simm.s32 $_size__tile_overlayer_lowered;
	s6 =	simm.s32 $_tile_overlayer_lowered  }
0x9b: {  	s22 =	simm.s32 $0x1BFF;
	s21 =	sshll.u32 s6, $0x1;
	s3 =	sadd.s32 s4, s19  }
0x9c: {  	s7 =	simm.s32 $0x0;
	s20 =	sshll.u32 s5, $0x1;
	s5 =	sadd.s32 s21, s3  }
0x9d: {  	[timem:s7], [sflag:s22] =	dma.local [hbm:s5], s20  }
0x9e: {  	_ =	swait.ge [sflag:s22], s20  }
0x9f: {  	s4 =	ssub.s32 $0x0, s20;
	[sflag:s22] =	ssyncset.done $0x0  }
0xa0: {  	[sflag:s22] =	ssyncadd.s32 s4;
	_ =	sdelay $0x1  }
0xa1: {  	s23 =	simm.s32 $0x1B8B  }
0xa2: {  	_ =	swait.ge [sflag:s23], $0x1  }
0xa3: {  	[sflag:s23] =	ssyncset.done $0x0  }
0xa4: {  	s25 =	simm.s32 $0x1B8E;
	s24 =	sld [smem:$0x3FFE];
	[sflag:s23] =	ssyncadd.s32 $0xFFFFFFFF  }
0xa5: {  	s26 =	simm.s32 $execute0_lowered;
	[smem:$0x3FD2] =	sst s25  }
0xa6: {  	s5 =	sshll.u32 s26, $0x1;
	_ =	strace $0x80000046;
	[dreg:$0x1] =	wrdreg $0xFFFFFFFF  }
0xa7: {  	s28 =	simm.s32 $_size_execute0_lowered;
	s3 =	sadd.s32 s3, s5;
	[dreg:$0x0] =	wrdreg $0x0  }
0xa8: {  	s5 =	sshll.u32 s28, $0x1;
	[dreg:$0x2] =	wrdreg s3  }
0xa9: {  	[dreg:$0x3] =	wrdreg s5  }
0xaa: {  	[dreg:$0x4] =	wrdreg $0xC0  }
0xab: {  	_ =	task [dreg:s7], $0x5FFFF  }
0xac: {  	[dreg:$0x1] =	wrdreg $0xFFFFFFFF  }
0xad: {  	[dreg:$0x0] =	wrdreg $0x60  }
0xae: {  	[dreg:$0x2] =	wrdreg s24  }
0xaf: {  	[dreg:$0x3] =	wrdreg s2  }
0xb0: {  	[dreg:$0x4] =	wrdreg $0x0  }
0xb1: {  	[dreg:$0x5] =	wrdreg $0x9  }
0xb2: {  	_ =	task.clear_ibuf [dreg:s7], $0x6FFFF;
	_ =	strace $0x90000046  }
0xb3: {  	s29 =	simm.s32 $0x9;
	_ =	strace $0x80000048  }
0xb4: {  	_ =	swait.ge [sflag:s29], $0x1  }
0xb5: {  	[sflag:s29] =	ssyncadd.s32 $0xFFFFFFFF  }
0xb6: {  	_ =	strace $0x90000048  }
0xb7: {  	_ =	sfence  }
0xb8: {  	s30 =	sld [smem:$0x0];
	_ =	sdelay $0x2  }
0xb9: {  	s31 =	sshll.u32 s1, $0xD;
	s1 =	sshrl.u32 s1, $0x2  }
0xba: {  	s3 =	sand.u32 $0x4000, s31;
	s1 =	sadd.s32 s1, s30  }
0xbb: {  	s0 =	sor.u32 s3, s0;
	s1 =	sshll.u32 s1, $0x11  }
0xbc: {  	s0 =	sor.u32 s1, s0  }
0xbd: {  	s0 =	sadd.s32 $0x8F2B, s0  }
0xbe: {  	[sflag:s0] =	ssyncadd.remote.s32 $0x1  }
0xbf: {  	_ =	sfence.sel $0xFFFF  }
0xc0: {  	[dreg:$0x0] =	wrdreg $0xFFFFFFFF;
	(pc) =	sbr.abs _section_cstart, $3  }
0xc1: {  	[dreg:$0x1] =	wrdreg $0xFFFFFFFF  }
0xc2: {  	_ =	task.clear_ibuf [dreg:s7], $0x2FFFF;
	_ =	strace $0x9FFFFFFF  }
0xc3: {  	(tm) =	ssettm $0x7FFFFFFF  }
tec
execute0_lowered:
.L_overlay_start_1:
0x0: {  	(tag) =	ssettag $0x1  }
0x1: {  	s3 =	rddreg [dreg:$0x0]  }
0x2: {  	s14 =	rddreg [dreg:$0x1]  }
0x3: {  	s1 =	rddreg [dreg:$0x2]  }
0x4: {  	s2 =	srdreg.scid;
	s0 =	rddreg [dreg:$0x3]  }
0x5: {  	s18 =	stileid.u32;
	s28 =	simm.s32 $0x4;
	s4 =	sand.u32 $0x1, s2  }
0x6: {  	s2 =	simm.s32 $0x0;
	s5 =	sshll.u32 s18, $0xD;
	s25 =	sadd.s32 $0xE00, s3  }
0x7: {  	s16 =	sadd.s32 $0x3000, s3;
	p0 =	sne.s32 s18, $0x0;
	s18 =	simm.s32 $0x1040  }
0x8: {  	s6 =	sshll.u32 s4, $0xC;
	[smem:$0x7FF] =	sst s2;
	s4 =	ssub.s32 $0x2, s4  }
0x9: {  	s15 =	sor.u32 s6, s5;
	_ =	strace $0x80000047;
	[dreg:$0x4] =	wrdreg s25  }
0xa: {  	s6 =	sshrl.u32 s15, $0x3;
	s29 =	sor.u32 $0x100, s15;
	s31 =	sshll.u32 s15, $0x4  }
0xb: {  	s7 =	sor.u32 $0x200, s15;
	s12 =	sor.u32 $0x300, s15;
	s19 =	sor.u32 $0x400, s15  }
0xc: {  	s24 =	sor.u32 $0x500, s15;
	s26 =	sadd.s32 s14, s6;
	s30 =	sshrl.u32 s29, $0x3  }
0xd: {  	s5 =	sadd.s32 s16, s31;
	s8 =	sshrl.u32 s7, $0x3;
	s10 =	sshll.u32 s29, $0x4  }
0xe: {  	s13 =	sshrl.u32 s12, $0x3;
	s17 =	sshll.u32 s7, $0x4;
	s21 =	sshrl.u32 s19, $0x3  }
0xf: {  	s25 =	sshrl.u32 s24, $0x3;
	s29 =	sor.u32 $0x600, s15;
	[dreg:$0x5] =	wrdreg s26  }
0x10: {  	s3 =	sadd.s32 s14, s30;
	[dreg:$0x7] =	wrdreg s5;
	s9 =	sadd.s32 s14, s8  }
0x11: {  	s11 =	sadd.s32 s16, s10;
	s20 =	sadd.s32 s16, s17;
	[dreg:$0x6] =	wrdreg s3  }
0x12: {  	s22 =	sadd.s32 s14, s21;
	s5 =	sshll.u32 s12, $0x4;
	[dreg:$0x8] =	wrdreg s9  }
0x13: {  	s26 =	sshll.u32 s19, $0x4;
	s31 =	sshrl.u32 s29, $0x3;
	[dreg:$0x9] =	wrdreg s11  }
0x14: {  	s10 =	sshrl.u32 s4, $0x1;
	s7 =	sshll.u32 s29, $0x4;
	[dreg:$0xb] =	wrdreg s20  }
0x15: {  	s3 =	sadd.s32 s14, s13;
	[dreg:$0xc] =	wrdreg s22;
	s23 =	sadd.s32 s16, s5  }
0x16: {  	s30 =	sadd.s32 s16, s26;
	s6 =	sadd.s32 s14, s31;
	[dreg:$0xa] =	wrdreg s3  }
0x17: {  	s5 =	sshll.u32 s24, $0x4;
	s9 =	sor.u32 $0x700, s15;
	[dreg:$0xd] =	wrdreg s23  }
0x18: {  	s12 =	sadd.s32 s16, s7;
	s20 =	sor.u32 $0x900, s15;
	[dreg:$0xf] =	wrdreg s30  }
0x19: {  	s3 =	sadd.s32 s14, s25;
	[dreg:$0x10] =	wrdreg s6;
	s8 =	sadd.s32 s16, s5  }
0x1a: {  	s11 =	sshrl.u32 s9, $0x3;
	[dreg:$0x13] =	wrdreg s12;
	s5 =	sshll.u32 s9, $0x4  }
0x1b: {  	s21 =	sshrl.u32 s20, $0x3;
	s23 =	sor.u32 $0xA00, s15;
	[dreg:$0xe] =	wrdreg s3  }
0x1c: {  	s25 =	sor.u32 $0xB00, s15;
	s12 =	sor.u32 $0xD00, s15;
	[dreg:$0x11] =	wrdreg s8  }
0x1d: {  	s3 =	sadd.s32 s14, s11;
	s8 =	sor.u32 $0x800, s15;
	s19 =	sadd.s32 s16, s5  }
0x1e: {  	s24 =	sshrl.u32 s23, $0x3;
	s5 =	sshll.u32 s20, $0x4;
	s26 =	sshrl.u32 s25, $0x3  }
0x1f: {  	s9 =	sshll.u32 s23, $0x4;
	s11 =	sor.u32 $0xC00, s15;
	s30 =	sshrl.u32 s12, $0x3  }
0x20: {  	s20 =	sshll.u32 s12, $0x4;
	s23 =	simm.s32 $0x9240;
	[dreg:$0x12] =	wrdreg s3  }
0x21: {  	s13 =	sshrl.u32 s8, $0x3;
	[dreg:$0x15] =	wrdreg s19;
	s3 =	sadd.s32 s14, s21  }
0x22: {  	s22 =	sshll.u32 s8, $0x4;
	s5 =	sadd.s32 s16, s5;
	s6 =	sadd.s32 s14, s26  }
0x23: {  	s7 =	sadd.s32 s16, s9;
	s29 =	sshrl.u32 s11, $0x3;
	s11 =	sshll.u32 s11, $0x4  }
0x24: {  	s19 =	sor.u32 $0xE00, s15;
	s15 =	sor.u32 $0xF00, s15;
	s26 =	simm.s32 $0x2  }
0x25: {  	s17 =	sadd.s32 s14, s13;
	[dreg:$0x16] =	wrdreg s3;
	s3 =	sadd.s32 s16, s22  }
0x26: {  	s8 =	sadd.s32 s14, s29;
	s11 =	sadd.s32 s16, s11;
	s13 =	sshrl.u32 s19, $0x3  }
0x27: {  	s31 =	sshrl.u32 s15, $0x3;
	s19 =	sshll.u32 s19, $0x4;
	s21 =	sshll.u32 s15, $0x4  }
0x28: {  	s22 =	simm.s32 $0x1140;
	[dreg:$0x14] =	wrdreg s17;
	s17 =	ssub.s32 s4, s10  }
0x29: {  	s4 =	sadd.s32 s14, s24;
	s10 =	sshll.u32 s25, $0x4;
	s12 =	sadd.s32 s14, s13  }
0x2a: {  	s13 =	sadd.s32 s16, s20;
	s15 =	sadd.s32 s16, s19;
	s19 =	simm.s32 $0x5  }
0x2b: {  	v0 =	vlaneseq.u32;
	s20 =	simm.s32 $0x100;
	s24 =	simm.s32 $0x1;
	s25 =	simm.s32 $0x3  }
0x2c: {  	v0 =	vand.u32 $0x7, v0;
	s9 =	sadd.s32 s16, s10;
	s10 =	sadd.s32 s14, s30;
	s14 =	sadd.s32 s14, s31  }
0x2d: {  	v0 =	vmul.u32 $0x41, v0;
	s16 =	sadd.s32 s16, s21;
	s17 =	smax.u32 s17, $0x1;
	s21 =	simm.s32 $0x1240  }
.LBB2_1:
0x2e: {  	s29 =	rddreg [dreg:$0x4];
	s30 =	sshrl.u32 @!p0 s1, $0x3;
	s31 =	simm.s32 @!p0 $0x1C05  }
0x2f: {  	[spmem:s30], [sflag:s31] =	dma.local @!p0 [hbm:s29], $0x2080  }
0x30: {  	s29 =	simm.s32 @!p0 $0x5  }
0x31: {  	_ =	swait.ge @!p0 [sflag:s29], $0x2080  }
0x32: {  	[sflag:s29] =	ssyncset.done @!p0 $0x0  }
0x33: {  	[sflag:s29] =	ssyncadd.s32 @!p0 $0xFFFFDF80  }
0x34: {  	[bflag:$0x0] =	sbarrier.arrive $0xFFFF  }
0x35: {  	s31 =	rddreg [dreg:$0x5]  }
0x36: {  	[tilespmem:s18], [sflag:$0x5] =	stream.linear.gather [hbm4b:s31+s2], $0x100, $0x38;
	[tilespmem:$0x11240] =	vst v63  }
0x37: {  	_ =	swait.ge [sflag:s19], $0x100  }
0x38: {  	[sflag:s19] =	ssyncset.done $0x0  }
0x39: {  	[sflag:s19] =	ssyncadd.s32 $0xFFFFFF00  }
0x3a: {  	v1 =	vld [tilespmem:$0x1040]  }
0x3b: {  	v2 =	vld [tilespmem:$0x1050]  }
0x3c: {  	v3 =	vld [tilespmem:$0x1060]  }
0x3d: {  	v4 =	vld [tilespmem:$0x1070]  }
0x3e: {  	v5 =	vld [tilespmem:$0x1080]  }
0x3f: {  	v6 =	vld [tilespmem:$0x1090];
	v1 =	vadd.s32 v0, v1  }
0x40: {  	[tilespmem:$0x1040] =	vst v1;
	v1 =	vadd.s32 v0, v2;
	v2 =	vld [tilespmem:$0x10A0]  }
0x41: {  	[tilespmem:$0x1050] =	vst v1;
	v1 =	vadd.s32 v0, v3;
	v3 =	vld [tilespmem:$0x10B0]  }
0x42: {  	v36 =	vld [tilespmem:$0x10C0];
	[tilespmem:$0x1060] =	vst v1;
	v1 =	vadd.s32 v0, v4  }
0x43: {  	v37 =	vld [tilespmem:$0x10D0];
	[tilespmem:$0x1070] =	vst v1;
	v1 =	vadd.s32 v0, v5  }
0x44: {  	v38 =	vld [tilespmem:$0x10E0];
	[tilespmem:$0x1080] =	vst v1;
	v1 =	vadd.s32 v0, v6  }
0x45: {  	[tilespmem:$0x1090] =	vst v1;
	v1 =	vadd.s32 v0, v2;
	v2 =	vld [tilespmem:$0x10F0]  }
0x46: {  	[tilespmem:$0x10A0] =	vst v1;
	v1 =	vadd.s32 v0, v3;
	v3 =	vld [tilespmem:$0x1100]  }
0x47: {  	v39 =	vld [tilespmem:$0x1110];
	[tilespmem:$0x10B0] =	vst v1;
	v1 =	vadd.s32 v0, v36  }
0x48: {  	v40 =	vld [tilespmem:$0x1120];
	[tilespmem:$0x10C0] =	vst v1;
	v1 =	vadd.s32 v0, v37  }
0x49: {  	v41 =	vld [tilespmem:$0x1130];
	[tilespmem:$0x10D0] =	vst v1;
	v1 =	vadd.s32 v0, v38  }
0x4a: {  	[tilespmem:$0x10E0] =	vst v1;
	v1 =	vadd.s32 v0, v2  }
0x4b: {  	[tilespmem:$0x10F0] =	vst v1;
	v1 =	vadd.s32 v0, v3  }
0x4c: {  	[tilespmem:$0x1100] =	vst v1;
	v1 =	vadd.s32 v0, v39  }
0x4d: {  	[tilespmem:$0x1110] =	vst v1;
	v1 =	vadd.s32 v0, v40  }
0x4e: {  	[tilespmem:$0x1120] =	vst v1;
	v1 =	vadd.s32 v0, v41  }
0x4f: {  	[tilespmem:$0x1130] =	vst v1  }
0x50: {  	[tilespmem:s21], [sflag:$0x1] =	stream.indirect.gather [spmem:s1], $0x80, s18, s20, $0xb8;
	[tilespmem:$0x11240] =	vst v63  }
0x51: {  	s30 =	rddreg [dreg:$0x6]  }
0x52: {  	[tilespmem:s22], [sflag:$0x5] =	stream.linear.gather [hbm4b:s30+s2], $0x100, $0x38;
	[tilespmem:$0x11240] =	vst v63  }
0x53: {  	_ =	swait.ge [sflag:s19], $0x100  }
0x54: {  	[sflag:s19] =	ssyncset.done $0x0  }
0x55: {  	[sflag:s19] =	ssyncadd.s32 $0xFFFFFF00  }
0x56: {  	v1 =	vld [tilespmem:$0x1140]  }
0x57: {  	v2 =	vld [tilespmem:$0x1150]  }
0x58: {  	v3 =	vld [tilespmem:$0x1160]  }
0x59: {  	v42 =	vld [tilespmem:$0x1170]  }
0x5a: {  	v43 =	vld [tilespmem:$0x1180]  }
0x5b: {  	v44 =	vld [tilespmem:$0x1190];
	v1 =	vadd.s32 v0, v1  }
0x5c: {  	[tilespmem:$0x1140] =	vst v1;
	v1 =	vadd.s32 v0, v2;
	v2 =	vld [tilespmem:$0x11A0]  }
0x5d: {  	[tilespmem:$0x1150] =	vst v1;
	v1 =	vadd.s32 v0, v3;
	v3 =	vld [tilespmem:$0x11B0]  }
0x5e: {  	v45 =	vld [tilespmem:$0x11C0];
	[tilespmem:$0x1160] =	vst v1;
	v1 =	vadd.s32 v0, v42  }
0x5f: {  	v46 =	vld [tilespmem:$0x11D0];
	[tilespmem:$0x1170] =	vst v1;
	v1 =	vadd.s32 v0, v43  }
0x60: {  	v47 =	vld [tilespmem:$0x11E0];
	[tilespmem:$0x1180] =	vst v1;
	v1 =	vadd.s32 v0, v44  }
0x61: {  	[tilespmem:$0x1190] =	vst v1;
	v1 =	vadd.s32 v0, v2;
	v2 =	vld [tilespmem:$0x11F0]  }
0x62: {  	[tilespmem:$0x11A0] =	vst v1;
	v1 =	vadd.s32 v0, v3;
	v3 =	vld [tilespmem:$0x1200]  }
0x63: {  	v48 =	vld [tilespmem:$0x1210];
	[tilespmem:$0x11B0] =	vst v1;
	v1 =	vadd.s32 v0, v45  }
0x64: {  	v49 =	vld [tilespmem:$0x1220];
	[tilespmem:$0x11C0] =	vst v1;
	v1 =	vadd.s32 v0, v46  }
0x65: {  	v50 =	vld [tilespmem:$0x1230];
	[tilespmem:$0x11D0] =	vst v1;
	v1 =	vadd.s32 v0, v47  }
0x66: {  	[tilespmem:$0x11E0] =	vst v1;
	v1 =	vadd.s32 v0, v2  }
0x67: {  	[tilespmem:$0x11F0] =	vst v1;
	v1 =	vadd.s32 v0, v3  }
0x68: {  	[tilespmem:$0x1200] =	vst v1;
	v1 =	vadd.s32 v0, v48  }
0x69: {  	[tilespmem:$0x1210] =	vst v1;
	v1 =	vadd.s32 v0, v49  }
0x6a: {  	[tilespmem:$0x1220] =	vst v1;
	v1 =	vadd.s32 v0, v50  }
0x6b: {  	[tilespmem:$0x1230] =	vst v1  }
0x6c: {  	[tilespmem:s23], [sflag:$0x2] =	stream.indirect.gather [spmem:s1], $0x80, s22, s20, $0xb8;
	[tilespmem:$0x11240] =	vst v63  }
0x6d: {  	_ =	swait.ge [sflag:s24], $0x8000  }
0x6e: {  	[sflag:s24] =	ssyncset.done $0x0  }
0x6f: {  	s29 =	rddreg [dreg:$0x7];
	[sflag:s24] =	ssyncadd.s32 $0xFFFF8000  }
0x70: {  	[hbm4b:s29+s2] =	stream.linear.scatter [tilespmem:s21], [sflag:$0x3], $0x8000, $0x38;
	[tilespmem:$0x11240] =	vst v63  }
0x71: {  	s31 =	rddreg [dreg:$0x8]  }
0x72: {  	[tilespmem:s18], [sflag:$0x5] =	stream.linear.gather [hbm4b:s31+s2], $0x100, $0x38;
	[tilespmem:$0x11240] =	vst v63  }
0x73: {  	_ =	swait.ge [sflag:s19], $0x100  }
0x74: {  	[sflag:s19] =	ssyncset.done $0x0  }
0x75: {  	[sflag:s19] =	ssyncadd.s32 $0xFFFFFF00  }
0x76: {  	v1 =	vld [tilespmem:$0x1040]  }
0x77: {  	v2 =	vld [tilespmem:$0x1050]  }
0x78: {  	v3 =	vld [tilespmem:$0x1060]  }
0x79: {  	v51 =	vld [tilespmem:$0x1070]  }
0x7a: {  	v52 =	vld [tilespmem:$0x1080]  }
0x7b: {  	v53 =	vld [tilespmem:$0x1090];
	v1 =	vadd.s32 v0, v1  }
0x7c: {  	[tilespmem:$0x1040] =	vst v1;
	v1 =	vadd.s32 v0, v2;
	v2 =	vld [tilespmem:$0x10A0]  }
0x7d: {  	[tilespmem:$0x1050] =	vst v1;
	v1 =	vadd.s32 v0, v3;
	v3 =	vld [tilespmem:$0x10B0]  }
0x7e: {  	v54 =	vld [tilespmem:$0x10C0];
	[tilespmem:$0x1060] =	vst v1;
	v1 =	vadd.s32 v0, v51  }
0x7f: {  	v55 =	vld [tilespmem:$0x10D0];
	[tilespmem:$0x1070] =	vst v1;
	v1 =	vadd.s32 v0, v52  }
0x80: {  	v56 =	vld [tilespmem:$0x10E0];
	[tilespmem:$0x1080] =	vst v1;
	v1 =	vadd.s32 v0, v53  }
0x81: {  	[tilespmem:$0x1090] =	vst v1;
	v1 =	vadd.s32 v0, v2;
	v2 =	vld [tilespmem:$0x10F0]  }
0x82: {  	[tilespmem:$0x10A0] =	vst v1;
	v1 =	vadd.s32 v0, v3;
	v3 =	vld [tilespmem:$0x1100]  }
0x83: {  	v57 =	vld [tilespmem:$0x1110];
	[tilespmem:$0x10B0] =	vst v1;
	v1 =	vadd.s32 v0, v54  }
0x84: {  	v58 =	vld [tilespmem:$0x1120];
	[tilespmem:$0x10C0] =	vst v1;
	v1 =	vadd.s32 v0, v55  }
0x85: {  	v59 =	vld [tilespmem:$0x1130];
	[tilespmem:$0x10D0] =	vst v1;
	v1 =	vadd.s32 v0, v56  }
0x86: {  	[tilespmem:$0x10E0] =	vst v1;
	v1 =	vadd.s32 v0, v2  }
0x87: {  	[tilespmem:$0x10F0] =	vst v1;
	v1 =	vadd.s32 v0, v3  }
0x88: {  	[tilespmem:$0x1100] =	vst v1;
	v1 =	vadd.s32 v0, v57  }
0x89: {  	[tilespmem:$0x1110] =	vst v1;
	v1 =	vadd.s32 v0, v58  }
0x8a: {  	[tilespmem:$0x1120] =	vst v1;
	v1 =	vadd.s32 v0, v59  }
0x8b: {  	[tilespmem:$0x1130] =	vst v1  }
0x8c: {  	_ =	swait.ge [sflag:s25], $0x8000  }
0x8d: {  	[sflag:s25] =	ssyncset.done $0x0  }
0x8e: {  	[sflag:s25] =	ssyncadd.s32 $0xFFFF8000  }
0x8f: {  	[tilespmem:s21], [sflag:$0x1] =	stream.indirect.gather [spmem:s1], $0x80, s18, s20, $0xb8;
	[tilespmem:$0x11240] =	vst v63  }
0x90: {  	_ =	swait.ge [sflag:s26], $0x8000  }
0x91: {  	[sflag:s26] =	ssyncset.done $0x0  }
0x92: {  	s29 =	rddreg [dreg:$0x9];
	[sflag:s26] =	ssyncadd.s32 $0xFFFF8000  }
0x93: {  	[hbm4b:s29+s2] =	stream.linear.scatter [tilespmem:s23], [sflag:$0x4], $0x8000, $0x38;
	[tilespmem:$0x11240] =	vst v63  }
0x94: {  	s31 =	rddreg [dreg:$0xa]  }
0x95: {  	[tilespmem:s22], [sflag:$0x5] =	stream.linear.gather [hbm4b:s31+s2], $0x100, $0x38;
	[tilespmem:$0x11240] =	vst v63  }
0x96: {  	_ =	swait.ge [sflag:s19], $0x100  }
0x97: {  	[sflag:s19] =	ssyncset.done $0x0  }
0x98: {  	[sflag:s19] =	ssyncadd.s32 $0xFFFFFF00  }
0x99: {  	v1 =	vld [tilespmem:$0x1140]  }
0x9a: {  	v2 =	vld [tilespmem:$0x1150]  }
0x9b: {  	v3 =	vld [tilespmem:$0x1160]  }
0x9c: {  	v60 =	vld [tilespmem:$0x1170]  }
0x9d: {  	v61 =	vld [tilespmem:$0x1180]  }
0x9e: {  	v62 =	vld [tilespmem:$0x1190];
	v1 =	vadd.s32 v0, v1  }
0x9f: {  	[tilespmem:$0x1140] =	vst v1;
	v1 =	vadd.s32 v0, v2;
	v2 =	vld [tilespmem:$0x11A0]  }
0xa0: {  	[tilespmem:$0x1150] =	vst v1;
	v1 =	vadd.s32 v0, v3;
	v3 =	vld [tilespmem:$0x11B0]  }
0xa1: {  	v63 =	vld [tilespmem:$0x11C0];
	[tilespmem:$0x1160] =	vst v1;
	v1 =	vadd.s32 v0, v60  }
0xa2: {  	v9 =	vld [tilespmem:$0x11D0];
	[tilespmem:$0x1170] =	vst v1;
	v1 =	vadd.s32 v0, v61  }
0xa3: {  	v10 =	vld [tilespmem:$0x11E0];
	[tilespmem:$0x1180] =	vst v1;
	v1 =	vadd.s32 v0, v62  }
0xa4: {  	[tilespmem:$0x1190] =	vst v1;
	v1 =	vadd.s32 v0, v2;
	v2 =	vld [tilespmem:$0x11F0]  }
0xa5: {  	[tilespmem:$0x11A0] =	vst v1;
	v1 =	vadd.s32 v0, v3;
	v3 =	vld [tilespmem:$0x1200]  }
0xa6: {  	v11 =	vld [tilespmem:$0x1210];
	[tilespmem:$0x11B0] =	vst v1;
	v1 =	vadd.s32 v0, v63  }
0xa7: {  	v12 =	vld [tilespmem:$0x1220];
	[tilespmem:$0x11C0] =	vst v1;
	v1 =	vadd.s32 v0, v9  }
0xa8: {  	v13 =	vld [tilespmem:$0x1230];
	[tilespmem:$0x11D0] =	vst v1;
	v1 =	vadd.s32 v0, v10  }
0xa9: {  	[tilespmem:$0x11E0] =	vst v1;
	v1 =	vadd.s32 v0, v2  }
0xaa: {  	[tilespmem:$0x11F0] =	vst v1;
	v1 =	vadd.s32 v0, v3  }
0xab: {  	[tilespmem:$0x1200] =	vst v1;
	v1 =	vadd.s32 v0, v11  }
0xac: {  	[tilespmem:$0x1210] =	vst v1;
	v1 =	vadd.s32 v0, v12  }
0xad: {  	[tilespmem:$0x1220] =	vst v1;
	v1 =	vadd.s32 v0, v13  }
0xae: {  	[tilespmem:$0x1230] =	vst v1  }
0xaf: {  	_ =	swait.ge [sflag:s28], $0x8000  }
0xb0: {  	[sflag:s28] =	ssyncset.done $0x0  }
0xb1: {  	[sflag:s28] =	ssyncadd.s32 $0xFFFF8000  }
0xb2: {  	[tilespmem:s23], [sflag:$0x2] =	stream.indirect.gather [spmem:s1], $0x80, s22, s20, $0xb8;
	[tilespmem:$0x11240] =	vst v63  }
0xb3: {  	_ =	swait.ge [sflag:s24], $0x8000  }
0xb4: {  	[sflag:s24] =	ssyncset.done $0x0  }
0xb5: {  	s29 =	rddreg [dreg:$0xb];
	[sflag:s24] =	ssyncadd.s32 $0xFFFF8000  }
0xb6: {  	[hbm4b:s29+s2] =	stream.linear.scatter [tilespmem:s21], [sflag:$0x3], $0x8000, $0x38;
	[tilespmem:$0x11240] =	vst v63  }
0xb7: {  	s31 =	rddreg [dreg:$0xc]  }
0xb8: {  	[tilespmem:s18], [sflag:$0x5] =	stream.linear.gather [hbm4b:s31+s2], $0x100, $0x38;
	[tilespmem:$0x11240] =	vst v63  }
0xb9: {  	_ =	swait.ge [sflag:s19], $0x100  }
0xba: {  	[sflag:s19] =	ssyncset.done $0x0  }
0xbb: {  	[sflag:s19] =	ssyncadd.s32 $0xFFFFFF00  }
0xbc: {  	v1 =	vld [tilespmem:$0x1040]  }
0xbd: {  	v2 =	vld [tilespmem:$0x1050]  }
0xbe: {  	v3 =	vld [tilespmem:$0x1060];
	_ =	sdelay $0x2  }
0xbf: {  	v1 =	vadd.s32 v0, v1  }
0xc0: {  	[tilespmem:$0x1040] =	vst v1;
	v1 =	vadd.s32 v0, v2  }
0xc1: {  	[tilespmem:$0x1050] =	vst v1;
	v1 =	vadd.s32 v0, v3  }
0xc2: {  	[tilespmem:$0x1060] =	vst v1  }
0xc3: {  	v1 =	vld [tilespmem:$0x1070]  }
0xc4: {  	v2 =	vld [tilespmem:$0x1080]  }
0xc5: {  	v3 =	vld [tilespmem:$0x1090]  }
0xc6: {  	v14 =	vld [tilespmem:$0x10A0]  }
0xc7: {  	v15 =	vld [tilespmem:$0x10B0]  }
0xc8: {  	v16 =	vld [tilespmem:$0x10C0];
	v1 =	vadd.s32 v0, v1  }
0xc9: {  	[tilespmem:$0x1070] =	vst v1;
	v1 =	vadd.s32 v0, v2;
	v2 =	vld [tilespmem:$0x10D0]  }
0xca: {  	[tilespmem:$0x1080] =	vst v1;
	v1 =	vadd.s32 v0, v3;
	v3 =	vld [tilespmem:$0x10E0]  }
0xcb: {  	v17 =	vld [tilespmem:$0x10F0];
	[tilespmem:$0x1090] =	vst v1;
	v1 =	vadd.s32 v0, v14  }
0xcc: {  	v18 =	vld [tilespmem:$0x1100];
	[tilespmem:$0x10A0] =	vst v1;
	v1 =	vadd.s32 v0, v15  }
0xcd: {  	v19 =	vld [tilespmem:$0x1110];
	[tilespmem:$0x10B0] =	vst v1;
	v1 =	vadd.s32 v0, v16  }
0xce: {  	[tilespmem:$0x10C0] =	vst v1;
	v1 =	vadd.s32 v0, v2;
	v2 =	vld [tilespmem:$0x1120]  }
0xcf: {  	[tilespmem:$0x10D0] =	vst v1;
	v1 =	vadd.s32 v0, v3;
	v3 =	vld [tilespmem:$0x1130]  }
0xd0: {  	[tilespmem:$0x10E0] =	vst v1;
	v1 =	vadd.s32 v0, v17  }
0xd1: {  	[tilespmem:$0x10F0] =	vst v1;
	v1 =	vadd.s32 v0, v18  }
0xd2: {  	[tilespmem:$0x1100] =	vst v1;
	v1 =	vadd.s32 v0, v19  }
0xd3: {  	[tilespmem:$0x1110] =	vst v1;
	v1 =	vadd.s32 v0, v2  }
0xd4: {  	[tilespmem:$0x1120] =	vst v1;
	v1 =	vadd.s32 v0, v3  }
0xd5: {  	[tilespmem:$0x1130] =	vst v1  }
0xd6: {  	_ =	swait.ge [sflag:s25], $0x8000  }
0xd7: {  	[sflag:s25] =	ssyncset.done $0x0  }
0xd8: {  	[sflag:s25] =	ssyncadd.s32 $0xFFFF8000  }
0xd9: {  	[tilespmem:s21], [sflag:$0x1] =	stream.indirect.gather [spmem:s1], $0x80, s18, s20, $0xb8;
	[tilespmem:$0x11240] =	vst v63  }
0xda: {  	_ =	swait.ge [sflag:s26], $0x8000  }
0xdb: {  	[sflag:s26] =	ssyncset.done $0x0  }
0xdc: {  	s29 =	rddreg [dreg:$0xd];
	[sflag:s26] =	ssyncadd.s32 $0xFFFF8000  }
0xdd: {  	[hbm4b:s29+s2] =	stream.linear.scatter [tilespmem:s23], [sflag:$0x4], $0x8000, $0x38;
	[tilespmem:$0x11240] =	vst v63  }
0xde: {  	s31 =	rddreg [dreg:$0xe]  }
0xdf: {  	[tilespmem:s22], [sflag:$0x5] =	stream.linear.gather [hbm4b:s31+s2], $0x100, $0x38;
	[tilespmem:$0x11240] =	vst v63  }
0xe0: {  	_ =	swait.ge [sflag:s19], $0x100  }
0xe1: {  	[sflag:s19] =	ssyncset.done $0x0  }
0xe2: {  	[sflag:s19] =	ssyncadd.s32 $0xFFFFFF00  }
0xe3: {  	v1 =	vld [tilespmem:$0x1140]  }
0xe4: {  	v2 =	vld [tilespmem:$0x1150]  }
0xe5: {  	v3 =	vld [tilespmem:$0x1160]  }
0xe6: {  	v20 =	vld [tilespmem:$0x1170]  }
0xe7: {  	v21 =	vld [tilespmem:$0x1180]  }
0xe8: {  	v22 =	vld [tilespmem:$0x1190];
	v1 =	vadd.s32 v0, v1  }
0xe9: {  	[tilespmem:$0x1140] =	vst v1;
	v1 =	vadd.s32 v0, v2;
	v2 =	vld [tilespmem:$0x11A0]  }
0xea: {  	[tilespmem:$0x1150] =	vst v1;
	v1 =	vadd.s32 v0, v3;
	v3 =	vld [tilespmem:$0x11B0]  }
0xeb: {  	v23 =	vld [tilespmem:$0x11C0];
	[tilespmem:$0x1160] =	vst v1;
	v1 =	vadd.s32 v0, v20  }
0xec: {  	v24 =	vld [tilespmem:$0x11D0];
	[tilespmem:$0x1170] =	vst v1;
	v1 =	vadd.s32 v0, v21  }
0xed: {  	v25 =	vld [tilespmem:$0x11E0];
	[tilespmem:$0x1180] =	vst v1;
	v1 =	vadd.s32 v0, v22  }
0xee: {  	[tilespmem:$0x1190] =	vst v1;
	v1 =	vadd.s32 v0, v2;
	v2 =	vld [tilespmem:$0x11F0]  }
0xef: {  	[tilespmem:$0x11A0] =	vst v1;
	v1 =	vadd.s32 v0, v3;
	v3 =	vld [tilespmem:$0x1200]  }
0xf0: {  	v26 =	vld [tilespmem:$0x1210];
	[tilespmem:$0x11B0] =	vst v1;
	v1 =	vadd.s32 v0, v23  }
0xf1: {  	v27 =	vld [tilespmem:$0x1220];
	[tilespmem:$0x11C0] =	vst v1;
	v1 =	vadd.s32 v0, v24  }
0xf2: {  	v28 =	vld [tilespmem:$0x1230];
	[tilespmem:$0x11D0] =	vst v1;
	v1 =	vadd.s32 v0, v25  }
0xf3: {  	[tilespmem:$0x11E0] =	vst v1;
	v1 =	vadd.s32 v0, v2  }
0xf4: {  	[tilespmem:$0x11F0] =	vst v1;
	v1 =	vadd.s32 v0, v3  }
0xf5: {  	[tilespmem:$0x1200] =	vst v1;
	v1 =	vadd.s32 v0, v26  }
0xf6: {  	[tilespmem:$0x1210] =	vst v1;
	v1 =	vadd.s32 v0, v27  }
0xf7: {  	[tilespmem:$0x1220] =	vst v1;
	v1 =	vadd.s32 v0, v28  }
0xf8: {  	[tilespmem:$0x1230] =	vst v1  }
0xf9: {  	_ =	swait.ge [sflag:s28], $0x8000  }
0xfa: {  	[sflag:s28] =	ssyncset.done $0x0  }
0xfb: {  	[sflag:s28] =	ssyncadd.s32 $0xFFFF8000  }
0xfc: {  	[tilespmem:s23], [sflag:$0x2] =	stream.indirect.gather [spmem:s1], $0x80, s22, s20, $0xb8;
	[tilespmem:$0x11240] =	vst v63  }
0xfd: {  	_ =	swait.ge [sflag:s24], $0x8000  }
0xfe: {  	[sflag:s24] =	ssyncset.done $0x0  }
0xff: {  	s29 =	rddreg [dreg:$0xf];
	[sflag:s24] =	ssyncadd.s32 $0xFFFF8000  }
0x100: {  	[hbm4b:s29+s2] =	stream.linear.scatter [tilespmem:s21], [sflag:$0x3], $0x8000, $0x38;
	[tilespmem:$0x11240] =	vst v63  }
0x101: {  	s31 =	rddreg [dreg:$0x10]  }
0x102: {  	[tilespmem:s18], [sflag:$0x5] =	stream.linear.gather [hbm4b:s31+s2], $0x100, $0x38;
	[tilespmem:$0x11240] =	vst v63  }
0x103: {  	_ =	swait.ge [sflag:s19], $0x100  }
0x104: {  	[sflag:s19] =	ssyncset.done $0x0  }
0x105: {  	[sflag:s19] =	ssyncadd.s32 $0xFFFFFF00  }
0x106: {  	v1 =	vld [tilespmem:$0x1040]  }
0x107: {  	v2 =	vld [tilespmem:$0x1050]  }
0x108: {  	v3 =	vld [tilespmem:$0x1060]  }
0x109: {  	v29 =	vld [tilespmem:$0x1070]  }
0x10a: {  	v30 =	vld [tilespmem:$0x1080]  }
0x10b: {  	v31 =	vld [tilespmem:$0x1090];
	v1 =	vadd.s32 v0, v1  }
0x10c: {  	[tilespmem:$0x1040] =	vst v1;
	v1 =	vadd.s32 v0, v2;
	v2 =	vld [tilespmem:$0x10A0]  }
0x10d: {  	[tilespmem:$0x1050] =	vst v1;
	v1 =	vadd.s32 v0, v3;
	v3 =	vld [tilespmem:$0x10B0]  }
0x10e: {  	v32 =	vld [tilespmem:$0x10C0];
	[tilespmem:$0x1060] =	vst v1;
	v1 =	vadd.s32 v0, v29  }
0x10f: {  	v33 =	vld [tilespmem:$0x10D0];
	[tilespmem:$0x1070] =	vst v1;
	v1 =	vadd.s32 v0, v30  }
0x110: {  	v34 =	vld [tilespmem:$0x10E0];
	[tilespmem:$0x1080] =	vst v1;
	v1 =	vadd.s32 v0, v31  }
0x111: {  	[tilespmem:$0x1090] =	vst v1;
	v1 =	vadd.s32 v0, v2;
	v2 =	vld [tilespmem:$0x10F0]  }
0x112: {  	[tilespmem:$0x10A0] =	vst v1;
	v1 =	vadd.s32 v0, v3;
	v3 =	vld [tilespmem:$0x1100]  }
0x113: {  	v35 =	vld [tilespmem:$0x1110];
	[tilespmem:$0x10B0] =	vst v1;
	v1 =	vadd.s32 v0, v32  }
0x114: {  	v36 =	vld [tilespmem:$0x1120];
	[tilespmem:$0x10C0] =	vst v1;
	v1 =	vadd.s32 v0, v33  }
0x115: {  	v37 =	vld [tilespmem:$0x1130];
	[tilespmem:$0x10D0] =	vst v1;
	v1 =	vadd.s32 v0, v34  }
0x116: {  	[tilespmem:$0x10E0] =	vst v1;
	v1 =	vadd.s32 v0, v2  }
0x117: {  	[tilespmem:$0x10F0] =	vst v1;
	v1 =	vadd.s32 v0, v3  }
0x118: {  	[tilespmem:$0x1100] =	vst v1;
	v1 =	vadd.s32 v0, v35  }
0x119: {  	[tilespmem:$0x1110] =	vst v1;
	v1 =	vadd.s32 v0, v36  }
0x11a: {  	[tilespmem:$0x1120] =	vst v1;
	v1 =	vadd.s32 v0, v37  }
0x11b: {  	[tilespmem:$0x1130] =	vst v1  }
0x11c: {  	_ =	swait.ge [sflag:s25], $0x8000  }
0x11d: {  	[sflag:s25] =	ssyncset.done $0x0  }
0x11e: {  	[sflag:s25] =	ssyncadd.s32 $0xFFFF8000  }
0x11f: {  	[tilespmem:s21], [sflag:$0x1] =	stream.indirect.gather [spmem:s1], $0x80, s18, s20, $0xb8;
	[tilespmem:$0x11240] =	vst v63  }
0x120: {  	_ =	swait.ge [sflag:s26], $0x8000  }
0x121: {  	[sflag:s26] =	ssyncset.done $0x0  }
0x122: {  	s29 =	rddreg [dreg:$0x11];
	[sflag:s26] =	ssyncadd.s32 $0xFFFF8000  }
0x123: {  	[hbm4b:s29+s2] =	stream.linear.scatter [tilespmem:s23], [sflag:$0x4], $0x8000, $0x38;
	[tilespmem:$0x11240] =	vst v63  }
0x124: {  	s31 =	rddreg [dreg:$0x12]  }
0x125: {  	[tilespmem:s22], [sflag:$0x5] =	stream.linear.gather [hbm4b:s31+s2], $0x100, $0x38;
	[tilespmem:$0x11240] =	vst v63  }
0x126: {  	_ =	swait.ge [sflag:s19], $0x100  }
0x127: {  	[sflag:s19] =	ssyncset.done $0x0  }
0x128: {  	[sflag:s19] =	ssyncadd.s32 $0xFFFFFF00  }
0x129: {  	v1 =	vld [tilespmem:$0x1140]  }
0x12a: {  	v2 =	vld [tilespmem:$0x1150]  }
0x12b: {  	v3 =	vld [tilespmem:$0x1160]  }
0x12c: {  	v38 =	vld [tilespmem:$0x1170]  }
0x12d: {  	v39 =	vld [tilespmem:$0x1180]  }
0x12e: {  	v40 =	vld [tilespmem:$0x1190];
	v1 =	vadd.s32 v0, v1  }
0x12f: {  	[tilespmem:$0x1140] =	vst v1;
	v1 =	vadd.s32 v0, v2;
	v2 =	vld [tilespmem:$0x11A0]  }
0x130: {  	[tilespmem:$0x1150] =	vst v1;
	v1 =	vadd.s32 v0, v3;
	v3 =	vld [tilespmem:$0x11B0]  }
0x131: {  	v41 =	vld [tilespmem:$0x11C0];
	[tilespmem:$0x1160] =	vst v1;
	v1 =	vadd.s32 v0, v38  }
0x132: {  	v42 =	vld [tilespmem:$0x11D0];
	[tilespmem:$0x1170] =	vst v1;
	v1 =	vadd.s32 v0, v39  }
0x133: {  	v43 =	vld [tilespmem:$0x11E0];
	[tilespmem:$0x1180] =	vst v1;
	v1 =	vadd.s32 v0, v40  }
0x134: {  	[tilespmem:$0x1190] =	vst v1;
	v1 =	vadd.s32 v0, v2;
	v2 =	vld [tilespmem:$0x11F0]  }
0x135: {  	[tilespmem:$0x11A0] =	vst v1;
	v1 =	vadd.s32 v0, v3;
	v3 =	vld [tilespmem:$0x1200]  }
0x136: {  	v44 =	vld [tilespmem:$0x1210];
	[tilespmem:$0x11B0] =	vst v1;
	v1 =	vadd.s32 v0, v41  }
0x137: {  	v45 =	vld [tilespmem:$0x1220];
	[tilespmem:$0x11C0] =	vst v1;
	v1 =	vadd.s32 v0, v42  }
0x138: {  	v46 =	vld [tilespmem:$0x1230];
	[tilespmem:$0x11D0] =	vst v1;
	v1 =	vadd.s32 v0, v43  }
0x139: {  	[tilespmem:$0x11E0] =	vst v1;
	v1 =	vadd.s32 v0, v2  }
0x13a: {  	[tilespmem:$0x11F0] =	vst v1;
	v1 =	vadd.s32 v0, v3  }
0x13b: {  	[tilespmem:$0x1200] =	vst v1;
	v1 =	vadd.s32 v0, v44  }
0x13c: {  	[tilespmem:$0x1210] =	vst v1;
	v1 =	vadd.s32 v0, v45  }
0x13d: {  	[tilespmem:$0x1220] =	vst v1;
	v1 =	vadd.s32 v0, v46  }
0x13e: {  	[tilespmem:$0x1230] =	vst v1  }
0x13f: {  	_ =	swait.ge [sflag:s28], $0x8000  }
0x140: {  	[sflag:s28] =	ssyncset.done $0x0  }
0x141: {  	[sflag:s28] =	ssyncadd.s32 $0xFFFF8000  }
0x142: {  	[tilespmem:s23], [sflag:$0x2] =	stream.indirect.gather [spmem:s1], $0x80, s22, s20, $0xb8;
	[tilespmem:$0x11240] =	vst v63  }
0x143: {  	_ =	swait.ge [sflag:s24], $0x8000  }
0x144: {  	[sflag:s24] =	ssyncset.done $0x0  }
0x145: {  	s29 =	rddreg [dreg:$0x13];
	[sflag:s24] =	ssyncadd.s32 $0xFFFF8000  }
0x146: {  	[hbm4b:s29+s2] =	stream.linear.scatter [tilespmem:s21], [sflag:$0x3], $0x8000, $0x38;
	[tilespmem:$0x11240] =	vst v63  }
0x147: {  	s31 =	rddreg [dreg:$0x14]  }
0x148: {  	[tilespmem:s18], [sflag:$0x5] =	stream.linear.gather [hbm4b:s31+s2], $0x100, $0x38;
	[tilespmem:$0x11240] =	vst v63  }
0x149: {  	_ =	swait.ge [sflag:s19], $0x100  }
0x14a: {  	[sflag:s19] =	ssyncset.done $0x0  }
0x14b: {  	[sflag:s19] =	ssyncadd.s32 $0xFFFFFF00  }
0x14c: {  	v1 =	vld [tilespmem:$0x1040]  }
0x14d: {  	v2 =	vld [tilespmem:$0x1050]  }
0x14e: {  	v3 =	vld [tilespmem:$0x1060]  }
0x14f: {  	v47 =	vld [tilespmem:$0x1070]  }
0x150: {  	v48 =	vld [tilespmem:$0x1080]  }
0x151: {  	v49 =	vld [tilespmem:$0x1090];
	v1 =	vadd.s32 v0, v1  }
0x152: {  	[tilespmem:$0x1040] =	vst v1;
	v1 =	vadd.s32 v0, v2;
	v2 =	vld [tilespmem:$0x10A0]  }
0x153: {  	[tilespmem:$0x1050] =	vst v1;
	v1 =	vadd.s32 v0, v3;
	v3 =	vld [tilespmem:$0x10B0]  }
0x154: {  	v50 =	vld [tilespmem:$0x10C0];
	[tilespmem:$0x1060] =	vst v1;
	v1 =	vadd.s32 v0, v47  }
0x155: {  	v51 =	vld [tilespmem:$0x10D0];
	[tilespmem:$0x1070] =	vst v1;
	v1 =	vadd.s32 v0, v48  }
0x156: {  	v52 =	vld [tilespmem:$0x10E0];
	[tilespmem:$0x1080] =	vst v1;
	v1 =	vadd.s32 v0, v49  }
0x157: {  	[tilespmem:$0x1090] =	vst v1;
	v1 =	vadd.s32 v0, v2;
	v2 =	vld [tilespmem:$0x10F0]  }
0x158: {  	[tilespmem:$0x10A0] =	vst v1;
	v1 =	vadd.s32 v0, v3;
	v3 =	vld [tilespmem:$0x1100]  }
0x159: {  	v53 =	vld [tilespmem:$0x1110];
	[tilespmem:$0x10B0] =	vst v1;
	v1 =	vadd.s32 v0, v50  }
0x15a: {  	v54 =	vld [tilespmem:$0x1120];
	[tilespmem:$0x10C0] =	vst v1;
	v1 =	vadd.s32 v0, v51  }
0x15b: {  	v55 =	vld [tilespmem:$0x1130];
	[tilespmem:$0x10D0] =	vst v1;
	v1 =	vadd.s32 v0, v52  }
0x15c: {  	[tilespmem:$0x10E0] =	vst v1;
	v1 =	vadd.s32 v0, v2  }
0x15d: {  	[tilespmem:$0x10F0] =	vst v1;
	v1 =	vadd.s32 v0, v3  }
0x15e: {  	[tilespmem:$0x1100] =	vst v1;
	v1 =	vadd.s32 v0, v53  }
0x15f: {  	[tilespmem:$0x1110] =	vst v1;
	v1 =	vadd.s32 v0, v54  }
0x160: {  	[tilespmem:$0x1120] =	vst v1;
	v1 =	vadd.s32 v0, v55  }
0x161: {  	[tilespmem:$0x1130] =	vst v1  }
0x162: {  	_ =	swait.ge [sflag:s25], $0x8000  }
0x163: {  	[sflag:s25] =	ssyncset.done $0x0  }
0x164: {  	[sflag:s25] =	ssyncadd.s32 $0xFFFF8000  }
0x165: {  	[tilespmem:s21], [sflag:$0x1] =	stream.indirect.gather [spmem:s1], $0x80, s18, s20, $0xb8;
	[tilespmem:$0x11240] =	vst v63  }
0x166: {  	_ =	swait.ge [sflag:s26], $0x8000  }
0x167: {  	[sflag:s26] =	ssyncset.done $0x0  }
0x168: {  	s29 =	rddreg [dreg:$0x15];
	[sflag:s26] =	ssyncadd.s32 $0xFFFF8000  }
0x169: {  	[hbm4b:s29+s2] =	stream.linear.scatter [tilespmem:s23], [sflag:$0x4], $0x8000, $0x38;
	[tilespmem:$0x11240] =	vst v63  }
0x16a: {  	s31 =	rddreg [dreg:$0x16]  }
0x16b: {  	[tilespmem:s22], [sflag:$0x5] =	stream.linear.gather [hbm4b:s31+s2], $0x100, $0x38;
	[tilespmem:$0x11240] =	vst v63  }
0x16c: {  	_ =	swait.ge [sflag:s19], $0x100  }
0x16d: {  	[sflag:s19] =	ssyncset.done $0x0  }
0x16e: {  	[sflag:s19] =	ssyncadd.s32 $0xFFFFFF00  }
0x16f: {  	v1 =	vld [tilespmem:$0x1140]  }
0x170: {  	v2 =	vld [tilespmem:$0x1150]  }
0x171: {  	v3 =	vld [tilespmem:$0x1160]  }
0x172: {  	v56 =	vld [tilespmem:$0x1170]  }
0x173: {  	v57 =	vld [tilespmem:$0x1180]  }
0x174: {  	v58 =	vld [tilespmem:$0x1190];
	v1 =	vadd.s32 v0, v1  }
0x175: {  	[tilespmem:$0x1140] =	vst v1;
	v1 =	vadd.s32 v0, v2;
	v2 =	vld [tilespmem:$0x11A0]  }
0x176: {  	[tilespmem:$0x1150] =	vst v1;
	v1 =	vadd.s32 v0, v3;
	v3 =	vld [tilespmem:$0x11B0]  }
0x177: {  	v59 =	vld [tilespmem:$0x11C0];
	[tilespmem:$0x1160] =	vst v1;
	v1 =	vadd.s32 v0, v56  }
0x178: {  	v60 =	vld [tilespmem:$0x11D0];
	[tilespmem:$0x1170] =	vst v1;
	v1 =	vadd.s32 v0, v57  }
0x179: {  	v61 =	vld [tilespmem:$0x11E0];
	[tilespmem:$0x1180] =	vst v1;
	v1 =	vadd.s32 v0, v58  }
0x17a: {  	[tilespmem:$0x1190] =	vst v1;
	v1 =	vadd.s32 v0, v2;
	v2 =	vld [tilespmem:$0x11F0]  }
0x17b: {  	[tilespmem:$0x11A0] =	vst v1;
	v1 =	vadd.s32 v0, v3;
	v3 =	vld [tilespmem:$0x1200]  }
0x17c: {  	v62 =	vld [tilespmem:$0x1210];
	[tilespmem:$0x11B0] =	vst v1;
	v1 =	vadd.s32 v0, v59  }
0x17d: {  	v63 =	vld [tilespmem:$0x1220];
	[tilespmem:$0x11C0] =	vst v1;
	v1 =	vadd.s32 v0, v60  }
0x17e: {  	v9 =	vld [tilespmem:$0x1230];
	[tilespmem:$0x11D0] =	vst v1;
	v1 =	vadd.s32 v0, v61  }
0x17f: {  	[tilespmem:$0x11E0] =	vst v1;
	v1 =	vadd.s32 v0, v2  }
0x180: {  	[tilespmem:$0x11F0] =	vst v1;
	v1 =	vadd.s32 v0, v3  }
0x181: {  	[tilespmem:$0x1200] =	vst v1;
	v1 =	vadd.s32 v0, v62  }
0x182: {  	[tilespmem:$0x1210] =	vst v1;
	v1 =	vadd.s32 v0, v63  }
0x183: {  	[tilespmem:$0x1220] =	vst v1;
	v1 =	vadd.s32 v0, v9  }
0x184: {  	[tilespmem:$0x1230] =	vst v1  }
0x185: {  	_ =	swait.ge [sflag:s28], $0x8000  }
0x186: {  	[sflag:s28] =	ssyncset.done $0x0  }
0x187: {  	[sflag:s28] =	ssyncadd.s32 $0xFFFF8000  }
0x188: {  	[tilespmem:s23], [sflag:$0x2] =	stream.indirect.gather [spmem:s1], $0x80, s22, s20, $0xb8;
	[tilespmem:$0x11240] =	vst v63  }
0x189: {  	_ =	swait.ge [sflag:s24], $0x8000  }
0x18a: {  	[sflag:s24] =	ssyncset.done $0x0  }
0x18b: {  	[sflag:s24] =	ssyncadd.s32 $0xFFFF8000  }
0x18c: {  	[hbm4b:s3+s2] =	stream.linear.scatter [tilespmem:s21], [sflag:$0x3], $0x8000, $0x38;
	[tilespmem:$0x11240] =	vst v63  }
0x18d: {  	_ = 	snop  }
0x18e: {  	[tilespmem:s18], [sflag:$0x5] =	stream.linear.gather [hbm4b:s4+s2], $0x100, $0x38;
	[tilespmem:$0x11240] =	vst v63  }
0x18f: {  	_ =	swait.ge [sflag:s19], $0x100  }
0x190: {  	[sflag:s19] =	ssyncset.done $0x0  }
0x191: {  	[sflag:s19] =	ssyncadd.s32 $0xFFFFFF00  }
0x192: {  	v1 =	vld [tilespmem:$0x1040]  }
0x193: {  	v2 =	vld [tilespmem:$0x1050]  }
0x194: {  	v3 =	vld [tilespmem:$0x1060]  }
0x195: {  	v10 =	vld [tilespmem:$0x1070]  }
0x196: {  	v11 =	vld [tilespmem:$0x1080]  }
0x197: {  	v12 =	vld [tilespmem:$0x1090];
	v1 =	vadd.s32 v0, v1  }
0x198: {  	[tilespmem:$0x1040] =	vst v1;
	v1 =	vadd.s32 v0, v2;
	v2 =	vld [tilespmem:$0x10A0]  }
0x199: {  	[tilespmem:$0x1050] =	vst v1;
	v1 =	vadd.s32 v0, v3;
	v3 =	vld [tilespmem:$0x10B0]  }
0x19a: {  	v13 =	vld [tilespmem:$0x10C0];
	[tilespmem:$0x1060] =	vst v1;
	v1 =	vadd.s32 v0, v10  }
0x19b: {  	v14 =	vld [tilespmem:$0x10D0];
	[tilespmem:$0x1070] =	vst v1;
	v1 =	vadd.s32 v0, v11  }
0x19c: {  	v15 =	vld [tilespmem:$0x10E0];
	[tilespmem:$0x1080] =	vst v1;
	v1 =	vadd.s32 v0, v12  }
0x19d: {  	[tilespmem:$0x1090] =	vst v1;
	v1 =	vadd.s32 v0, v2;
	v2 =	vld [tilespmem:$0x10F0]  }
0x19e: {  	[tilespmem:$0x10A0] =	vst v1;
	v1 =	vadd.s32 v0, v3;
	v3 =	vld [tilespmem:$0x1100]  }
0x19f: {  	v16 =	vld [tilespmem:$0x1110];
	[tilespmem:$0x10B0] =	vst v1;
	v1 =	vadd.s32 v0, v13  }
0x1a0: {  	v17 =	vld [tilespmem:$0x1120];
	[tilespmem:$0x10C0] =	vst v1;
	v1 =	vadd.s32 v0, v14  }
0x1a1: {  	v18 =	vld [tilespmem:$0x1130];
	[tilespmem:$0x10D0] =	vst v1;
	v1 =	vadd.s32 v0, v15  }
0x1a2: {  	[tilespmem:$0x10E0] =	vst v1;
	v1 =	vadd.s32 v0, v2  }
0x1a3: {  	[tilespmem:$0x10F0] =	vst v1;
	v1 =	vadd.s32 v0, v3  }
0x1a4: {  	[tilespmem:$0x1100] =	vst v1;
	v1 =	vadd.s32 v0, v16  }
0x1a5: {  	[tilespmem:$0x1110] =	vst v1;
	v1 =	vadd.s32 v0, v17  }
0x1a6: {  	[tilespmem:$0x1120] =	vst v1;
	v1 =	vadd.s32 v0, v18  }
0x1a7: {  	[tilespmem:$0x1130] =	vst v1  }
0x1a8: {  	_ =	swait.ge [sflag:s25], $0x8000  }
0x1a9: {  	[sflag:s25] =	ssyncset.done $0x0  }
0x1aa: {  	[sflag:s25] =	ssyncadd.s32 $0xFFFF8000  }
0x1ab: {  	[tilespmem:s21], [sflag:$0x1] =	stream.indirect.gather [spmem:s1], $0x80, s18, s20, $0xb8;
	[tilespmem:$0x11240] =	vst v63  }
0x1ac: {  	_ =	swait.ge [sflag:s26], $0x8000  }
0x1ad: {  	[sflag:s26] =	ssyncset.done $0x0  }
0x1ae: {  	[sflag:s26] =	ssyncadd.s32 $0xFFFF8000  }
0x1af: {  	[hbm4b:s5+s2] =	stream.linear.scatter [tilespmem:s23], [sflag:$0x4], $0x8000, $0x38;
	[tilespmem:$0x11240] =	vst v63  }
0x1b0: {  	_ = 	snop  }
0x1b1: {  	[tilespmem:s22], [sflag:$0x5] =	stream.linear.gather [hbm4b:s6+s2], $0x100, $0x38;
	[tilespmem:$0x11240] =	vst v63  }
0x1b2: {  	_ =	swait.ge [sflag:s19], $0x100  }
0x1b3: {  	[sflag:s19] =	ssyncset.done $0x0  }
0x1b4: {  	[sflag:s19] =	ssyncadd.s32 $0xFFFFFF00  }
0x1b5: {  	v1 =	vld [tilespmem:$0x1140]  }
0x1b6: {  	v2 =	vld [tilespmem:$0x1150]  }
0x1b7: {  	v3 =	vld [tilespmem:$0x1160]  }
0x1b8: {  	v19 =	vld [tilespmem:$0x1170]  }
0x1b9: {  	v20 =	vld [tilespmem:$0x1180]  }
0x1ba: {  	v21 =	vld [tilespmem:$0x1190];
	v1 =	vadd.s32 v0, v1  }
0x1bb: {  	[tilespmem:$0x1140] =	vst v1;
	v1 =	vadd.s32 v0, v2;
	v2 =	vld [tilespmem:$0x11A0]  }
0x1bc: {  	[tilespmem:$0x1150] =	vst v1;
	v1 =	vadd.s32 v0, v3;
	v3 =	vld [tilespmem:$0x11B0]  }
0x1bd: {  	v22 =	vld [tilespmem:$0x11C0];
	[tilespmem:$0x1160] =	vst v1;
	v1 =	vadd.s32 v0, v19  }
0x1be: {  	v23 =	vld [tilespmem:$0x11D0];
	[tilespmem:$0x1170] =	vst v1;
	v1 =	vadd.s32 v0, v20  }
0x1bf: {  	v24 =	vld [tilespmem:$0x11E0];
	[tilespmem:$0x1180] =	vst v1;
	v1 =	vadd.s32 v0, v21  }
0x1c0: {  	[tilespmem:$0x1190] =	vst v1;
	v1 =	vadd.s32 v0, v2;
	v2 =	vld [tilespmem:$0x11F0]  }
0x1c1: {  	[tilespmem:$0x11A0] =	vst v1;
	v1 =	vadd.s32 v0, v3;
	v3 =	vld [tilespmem:$0x1200]  }
0x1c2: {  	v25 =	vld [tilespmem:$0x1210];
	[tilespmem:$0x11B0] =	vst v1;
	v1 =	vadd.s32 v0, v22  }
0x1c3: {  	v26 =	vld [tilespmem:$0x1220];
	[tilespmem:$0x11C0] =	vst v1;
	v1 =	vadd.s32 v0, v23  }
0x1c4: {  	v27 =	vld [tilespmem:$0x1230];
	[tilespmem:$0x11D0] =	vst v1;
	v1 =	vadd.s32 v0, v24  }
0x1c5: {  	[tilespmem:$0x11E0] =	vst v1;
	v1 =	vadd.s32 v0, v2  }
0x1c6: {  	[tilespmem:$0x11F0] =	vst v1;
	v1 =	vadd.s32 v0, v3  }
0x1c7: {  	[tilespmem:$0x1200] =	vst v1;
	v1 =	vadd.s32 v0, v25  }
0x1c8: {  	[tilespmem:$0x1210] =	vst v1;
	v1 =	vadd.s32 v0, v26  }
0x1c9: {  	[tilespmem:$0x1220] =	vst v1;
	v1 =	vadd.s32 v0, v27  }
0x1ca: {  	[tilespmem:$0x1230] =	vst v1  }
0x1cb: {  	_ =	swait.ge [sflag:s28], $0x8000  }
0x1cc: {  	[sflag:s28] =	ssyncset.done $0x0  }
0x1cd: {  	[sflag:s28] =	ssyncadd.s32 $0xFFFF8000  }
0x1ce: {  	[tilespmem:s23], [sflag:$0x2] =	stream.indirect.gather [spmem:s1], $0x80, s22, s20, $0xb8;
	[tilespmem:$0x11240] =	vst v63  }
0x1cf: {  	_ =	swait.ge [sflag:s24], $0x8000  }
0x1d0: {  	[sflag:s24] =	ssyncset.done $0x0  }
0x1d1: {  	[sflag:s24] =	ssyncadd.s32 $0xFFFF8000  }
0x1d2: {  	[hbm4b:s7+s2] =	stream.linear.scatter [tilespmem:s21], [sflag:$0x3], $0x8000, $0x38;
	[tilespmem:$0x11240] =	vst v63  }
0x1d3: {  	_ = 	snop  }
0x1d4: {  	[tilespmem:s18], [sflag:$0x5] =	stream.linear.gather [hbm4b:s8+s2], $0x100, $0x38;
	[tilespmem:$0x11240] =	vst v63  }
0x1d5: {  	_ =	swait.ge [sflag:s19], $0x100  }
0x1d6: {  	[sflag:s19] =	ssyncset.done $0x0  }
0x1d7: {  	[sflag:s19] =	ssyncadd.s32 $0xFFFFFF00  }
0x1d8: {  	v1 =	vld [tilespmem:$0x1040]  }
0x1d9: {  	v2 =	vld [tilespmem:$0x1050]  }
0x1da: {  	v3 =	vld [tilespmem:$0x1060]  }
0x1db: {  	v28 =	vld [tilespmem:$0x1070]  }
0x1dc: {  	v29 =	vld [tilespmem:$0x1080]  }
0x1dd: {  	v30 =	vld [tilespmem:$0x1090];
	v1 =	vadd.s32 v0, v1  }
0x1de: {  	[tilespmem:$0x1040] =	vst v1;
	v1 =	vadd.s32 v0, v2;
	v2 =	vld [tilespmem:$0x10A0]  }
0x1df: {  	[tilespmem:$0x1050] =	vst v1;
	v1 =	vadd.s32 v0, v3;
	v3 =	vld [tilespmem:$0x10B0]  }
0x1e0: {  	v31 =	vld [tilespmem:$0x10C0];
	[tilespmem:$0x1060] =	vst v1;
	v1 =	vadd.s32 v0, v28  }
0x1e1: {  	v32 =	vld [tilespmem:$0x10D0];
	[tilespmem:$0x1070] =	vst v1;
	v1 =	vadd.s32 v0, v29  }
0x1e2: {  	v33 =	vld [tilespmem:$0x10E0];
	[tilespmem:$0x1080] =	vst v1;
	v1 =	vadd.s32 v0, v30  }
0x1e3: {  	[tilespmem:$0x1090] =	vst v1;
	v1 =	vadd.s32 v0, v2;
	v2 =	vld [tilespmem:$0x10F0]  }
0x1e4: {  	[tilespmem:$0x10A0] =	vst v1;
	v1 =	vadd.s32 v0, v3;
	v3 =	vld [tilespmem:$0x1100]  }
0x1e5: {  	v34 =	vld [tilespmem:$0x1110];
	[tilespmem:$0x10B0] =	vst v1;
	v1 =	vadd.s32 v0, v31  }
0x1e6: {  	v35 =	vld [tilespmem:$0x1120];
	[tilespmem:$0x10C0] =	vst v1;
	v1 =	vadd.s32 v0, v32  }
0x1e7: {  	v36 =	vld [tilespmem:$0x1130];
	[tilespmem:$0x10D0] =	vst v1;
	v1 =	vadd.s32 v0, v33  }
0x1e8: {  	[tilespmem:$0x10E0] =	vst v1;
	v1 =	vadd.s32 v0, v2  }
0x1e9: {  	[tilespmem:$0x10F0] =	vst v1;
	v1 =	vadd.s32 v0, v3  }
0x1ea: {  	[tilespmem:$0x1100] =	vst v1;
	v1 =	vadd.s32 v0, v34  }
0x1eb: {  	[tilespmem:$0x1110] =	vst v1;
	v1 =	vadd.s32 v0, v35  }
0x1ec: {  	[tilespmem:$0x1120] =	vst v1;
	v1 =	vadd.s32 v0, v36  }
0x1ed: {  	[tilespmem:$0x1130] =	vst v1  }
0x1ee: {  	_ =	swait.ge [sflag:s25], $0x8000  }
0x1ef: {  	[sflag:s25] =	ssyncset.done $0x0  }
0x1f0: {  	[sflag:s25] =	ssyncadd.s32 $0xFFFF8000  }
0x1f1: {  	[tilespmem:s21], [sflag:$0x1] =	stream.indirect.gather [spmem:s1], $0x80, s18, s20, $0xb8;
	[tilespmem:$0x11240] =	vst v63  }
0x1f2: {  	_ =	swait.ge [sflag:s26], $0x8000  }
0x1f3: {  	[sflag:s26] =	ssyncset.done $0x0  }
0x1f4: {  	[sflag:s26] =	ssyncadd.s32 $0xFFFF8000  }
0x1f5: {  	[hbm4b:s9+s2] =	stream.linear.scatter [tilespmem:s23], [sflag:$0x4], $0x8000, $0x38;
	[tilespmem:$0x11240] =	vst v63  }
0x1f6: {  	_ = 	snop  }
0x1f7: {  	[tilespmem:s22], [sflag:$0x5] =	stream.linear.gather [hbm4b:s10+s2], $0x100, $0x38;
	[tilespmem:$0x11240] =	vst v63  }
0x1f8: {  	_ =	swait.ge [sflag:s19], $0x100  }
0x1f9: {  	[sflag:s19] =	ssyncset.done $0x0  }
0x1fa: {  	[sflag:s19] =	ssyncadd.s32 $0xFFFFFF00  }
0x1fb: {  	v1 =	vld [tilespmem:$0x1140]  }
0x1fc: {  	v2 =	vld [tilespmem:$0x1150]  }
0x1fd: {  	v3 =	vld [tilespmem:$0x1160]  }
0x1fe: {  	v37 =	vld [tilespmem:$0x1170]  }
0x1ff: {  	v38 =	vld [tilespmem:$0x1180]  }
0x200: {  	v39 =	vld [tilespmem:$0x1190];
	v1 =	vadd.s32 v0, v1  }
0x201: {  	[tilespmem:$0x1140] =	vst v1;
	v1 =	vadd.s32 v0, v2;
	v2 =	vld [tilespmem:$0x11A0]  }
0x202: {  	[tilespmem:$0x1150] =	vst v1;
	v1 =	vadd.s32 v0, v3;
	v3 =	vld [tilespmem:$0x11B0]  }
0x203: {  	v40 =	vld [tilespmem:$0x11C0];
	[tilespmem:$0x1160] =	vst v1;
	v1 =	vadd.s32 v0, v37  }
0x204: {  	v41 =	vld [tilespmem:$0x11D0];
	[tilespmem:$0x1170] =	vst v1;
	v1 =	vadd.s32 v0, v38  }
0x205: {  	v42 =	vld [tilespmem:$0x11E0];
	[tilespmem:$0x1180] =	vst v1;
	v1 =	vadd.s32 v0, v39  }
0x206: {  	[tilespmem:$0x1190] =	vst v1;
	v1 =	vadd.s32 v0, v2;
	v2 =	vld [tilespmem:$0x11F0]  }
0x207: {  	[tilespmem:$0x11A0] =	vst v1;
	v1 =	vadd.s32 v0, v3;
	v3 =	vld [tilespmem:$0x1200]  }
0x208: {  	v43 =	vld [tilespmem:$0x1210];
	[tilespmem:$0x11B0] =	vst v1;
	v1 =	vadd.s32 v0, v40  }
0x209: {  	v44 =	vld [tilespmem:$0x1220];
	[tilespmem:$0x11C0] =	vst v1;
	v1 =	vadd.s32 v0, v41  }
0x20a: {  	v45 =	vld [tilespmem:$0x1230];
	[tilespmem:$0x11D0] =	vst v1;
	v1 =	vadd.s32 v0, v42  }
0x20b: {  	[tilespmem:$0x11E0] =	vst v1;
	v1 =	vadd.s32 v0, v2  }
0x20c: {  	[tilespmem:$0x11F0] =	vst v1;
	v1 =	vadd.s32 v0, v3  }
0x20d: {  	[tilespmem:$0x1200] =	vst v1;
	v1 =	vadd.s32 v0, v43  }
0x20e: {  	[tilespmem:$0x1210] =	vst v1;
	v1 =	vadd.s32 v0, v44  }
0x20f: {  	[tilespmem:$0x1220] =	vst v1;
	v1 =	vadd.s32 v0, v45  }
0x210: {  	[tilespmem:$0x1230] =	vst v1  }
0x211: {  	_ =	swait.ge [sflag:s28], $0x8000  }
0x212: {  	[sflag:s28] =	ssyncset.done $0x0  }
0x213: {  	[sflag:s28] =	ssyncadd.s32 $0xFFFF8000  }
0x214: {  	[tilespmem:s23], [sflag:$0x2] =	stream.indirect.gather [spmem:s1], $0x80, s22, s20, $0xb8;
	[tilespmem:$0x11240] =	vst v63  }
0x215: {  	_ =	swait.ge [sflag:s24], $0x8000  }
0x216: {  	[sflag:s24] =	ssyncset.done $0x0  }
0x217: {  	[sflag:s24] =	ssyncadd.s32 $0xFFFF8000  }
0x218: {  	[hbm4b:s11+s2] =	stream.linear.scatter [tilespmem:s21], [sflag:$0x3], $0x8000, $0x38;
	[tilespmem:$0x11240] =	vst v63  }
0x219: {  	_ = 	snop  }
0x21a: {  	[tilespmem:s18], [sflag:$0x5] =	stream.linear.gather [hbm4b:s12+s2], $0x100, $0x38;
	[tilespmem:$0x11240] =	vst v63  }
0x21b: {  	_ =	swait.ge [sflag:s19], $0x100  }
0x21c: {  	[sflag:s19] =	ssyncset.done $0x0  }
0x21d: {  	[sflag:s19] =	ssyncadd.s32 $0xFFFFFF00  }
0x21e: {  	v1 =	vld [tilespmem:$0x1040]  }
0x21f: {  	v2 =	vld [tilespmem:$0x1050]  }
0x220: {  	v3 =	vld [tilespmem:$0x1060]  }
0x221: {  	v46 =	vld [tilespmem:$0x1070]  }
0x222: {  	v47 =	vld [tilespmem:$0x1080]  }
0x223: {  	v48 =	vld [tilespmem:$0x1090];
	v1 =	vadd.s32 v0, v1  }
0x224: {  	[tilespmem:$0x1040] =	vst v1;
	v1 =	vadd.s32 v0, v2;
	v2 =	vld [tilespmem:$0x10A0]  }
0x225: {  	[tilespmem:$0x1050] =	vst v1;
	v1 =	vadd.s32 v0, v3;
	v3 =	vld [tilespmem:$0x10B0]  }
0x226: {  	v49 =	vld [tilespmem:$0x10C0];
	[tilespmem:$0x1060] =	vst v1;
	v1 =	vadd.s32 v0, v46  }
0x227: {  	v50 =	vld [tilespmem:$0x10D0];
	[tilespmem:$0x1070] =	vst v1;
	v1 =	vadd.s32 v0, v47  }
0x228: {  	v51 =	vld [tilespmem:$0x10E0];
	[tilespmem:$0x1080] =	vst v1;
	v1 =	vadd.s32 v0, v48  }
0x229: {  	[tilespmem:$0x1090] =	vst v1;
	v1 =	vadd.s32 v0, v2;
	v2 =	vld [tilespmem:$0x10F0]  }
0x22a: {  	[tilespmem:$0x10A0] =	vst v1;
	v1 =	vadd.s32 v0, v3;
	v3 =	vld [tilespmem:$0x1100]  }
0x22b: {  	v52 =	vld [tilespmem:$0x1110];
	[tilespmem:$0x10B0] =	vst v1;
	v1 =	vadd.s32 v0, v49  }
0x22c: {  	v53 =	vld [tilespmem:$0x1120];
	[tilespmem:$0x10C0] =	vst v1;
	v1 =	vadd.s32 v0, v50  }
0x22d: {  	v54 =	vld [tilespmem:$0x1130];
	[tilespmem:$0x10D0] =	vst v1;
	v1 =	vadd.s32 v0, v51  }
0x22e: {  	[tilespmem:$0x10E0] =	vst v1;
	v1 =	vadd.s32 v0, v2  }
0x22f: {  	[tilespmem:$0x10F0] =	vst v1;
	v1 =	vadd.s32 v0, v3  }
0x230: {  	[tilespmem:$0x1100] =	vst v1;
	v1 =	vadd.s32 v0, v52  }
0x231: {  	[tilespmem:$0x1110] =	vst v1;
	v1 =	vadd.s32 v0, v53  }
0x232: {  	[tilespmem:$0x1120] =	vst v1;
	v1 =	vadd.s32 v0, v54  }
0x233: {  	[tilespmem:$0x1130] =	vst v1  }
0x234: {  	_ =	swait.ge [sflag:s25], $0x8000  }
0x235: {  	[sflag:s25] =	ssyncset.done $0x0  }
0x236: {  	[sflag:s25] =	ssyncadd.s32 $0xFFFF8000  }
0x237: {  	[tilespmem:s21], [sflag:$0x1] =	stream.indirect.gather [spmem:s1], $0x80, s18, s20, $0xb8;
	[tilespmem:$0x11240] =	vst v63  }
0x238: {  	_ =	swait.ge [sflag:s26], $0x8000  }
0x239: {  	[sflag:s26] =	ssyncset.done $0x0  }
0x23a: {  	[sflag:s26] =	ssyncadd.s32 $0xFFFF8000  }
0x23b: {  	[hbm4b:s13+s2] =	stream.linear.scatter [tilespmem:s23], [sflag:$0x4], $0x8000, $0x38;
	[tilespmem:$0x11240] =	vst v63  }
0x23c: {  	_ = 	snop  }
0x23d: {  	[tilespmem:s22], [sflag:$0x5] =	stream.linear.gather [hbm4b:s14+s2], $0x100, $0x38;
	[tilespmem:$0x11240] =	vst v63  }
0x23e: {  	_ =	swait.ge [sflag:s19], $0x100  }
0x23f: {  	[sflag:s19] =	ssyncset.done $0x0  }
0x240: {  	[sflag:s19] =	ssyncadd.s32 $0xFFFFFF00  }
0x241: {  	v1 =	vld [tilespmem:$0x1140]  }
0x242: {  	v2 =	vld [tilespmem:$0x1150]  }
0x243: {  	v3 =	vld [tilespmem:$0x1160]  }
0x244: {  	v55 =	vld [tilespmem:$0x1170]  }
0x245: {  	v56 =	vld [tilespmem:$0x1180]  }
0x246: {  	v57 =	vld [tilespmem:$0x1190];
	v1 =	vadd.s32 v0, v1  }
0x247: {  	[tilespmem:$0x1140] =	vst v1;
	v1 =	vadd.s32 v0, v2;
	v2 =	vld [tilespmem:$0x11A0]  }
0x248: {  	[tilespmem:$0x1150] =	vst v1;
	v1 =	vadd.s32 v0, v3;
	v3 =	vld [tilespmem:$0x11B0]  }
0x249: {  	v58 =	vld [tilespmem:$0x11C0];
	[tilespmem:$0x1160] =	vst v1;
	v1 =	vadd.s32 v0, v55  }
0x24a: {  	v59 =	vld [tilespmem:$0x11D0];
	[tilespmem:$0x1170] =	vst v1;
	v1 =	vadd.s32 v0, v56  }
0x24b: {  	v60 =	vld [tilespmem:$0x11E0];
	[tilespmem:$0x1180] =	vst v1;
	v1 =	vadd.s32 v0, v57  }
0x24c: {  	[tilespmem:$0x1190] =	vst v1;
	v1 =	vadd.s32 v0, v2;
	v2 =	vld [tilespmem:$0x11F0]  }
0x24d: {  	[tilespmem:$0x11A0] =	vst v1;
	v1 =	vadd.s32 v0, v3;
	v3 =	vld [tilespmem:$0x1200]  }
0x24e: {  	v61 =	vld [tilespmem:$0x1210];
	[tilespmem:$0x11B0] =	vst v1;
	v1 =	vadd.s32 v0, v58  }
0x24f: {  	v62 =	vld [tilespmem:$0x1220];
	[tilespmem:$0x11C0] =	vst v1;
	v1 =	vadd.s32 v0, v59  }
0x250: {  	v63 =	vld [tilespmem:$0x1230];
	[tilespmem:$0x11D0] =	vst v1;
	v1 =	vadd.s32 v0, v60  }
0x251: {  	[tilespmem:$0x11E0] =	vst v1;
	v1 =	vadd.s32 v0, v2  }
0x252: {  	[tilespmem:$0x11F0] =	vst v1;
	v1 =	vadd.s32 v0, v3  }
0x253: {  	[tilespmem:$0x1200] =	vst v1;
	v1 =	vadd.s32 v0, v61  }
0x254: {  	[tilespmem:$0x1210] =	vst v1;
	v1 =	vadd.s32 v0, v62  }
0x255: {  	[tilespmem:$0x1220] =	vst v1;
	v1 =	vadd.s32 v0, v63  }
0x256: {  	[tilespmem:$0x1230] =	vst v1  }
0x257: {  	_ =	swait.ge [sflag:s28], $0x8000  }
0x258: {  	[sflag:s28] =	ssyncset.done $0x0  }
0x259: {  	[sflag:s28] =	ssyncadd.s32 $0xFFFF8000  }
0x25a: {  	[tilespmem:s23], [sflag:$0x2] =	stream.indirect.gather [spmem:s1], $0x80, s22, s20, $0xb8;
	[tilespmem:$0x11240] =	vst v63  }
0x25b: {  	_ =	swait.ge [sflag:s24], $0x8000  }
0x25c: {  	[sflag:s24] =	ssyncset.done $0x0  }
0x25d: {  	[sflag:s24] =	ssyncadd.s32 $0xFFFF8000  }
0x25e: {  	[hbm4b:s15+s2] =	stream.linear.scatter [tilespmem:s21], [sflag:$0x3], $0x8000, $0x38;
	[tilespmem:$0x11240] =	vst v63  }
0x25f: {  	_ =	swait.ge [sflag:s26], $0x8000  }
0x260: {  	[sflag:s26] =	ssyncset.done $0x0  }
0x261: {  	s17 =	sadd.s32 $0xFFFFFFFF, s17;
	[sflag:s26] =	ssyncadd.s32 $0xFFFF8000  }
0x262: {  	[hbm4b:s16+s2] =	stream.linear.scatter [tilespmem:s23], [sflag:$0x4], $0x8000, $0x38;
	[tilespmem:$0x11240] =	vst v63  }
0x263: {  	p1 =	sne.s32 s17, $0x0;
	_ =	swait.ge [sflag:s25], $0x8000  }
.Ltmp0:
0x264: {  	[sflag:s25] =	ssyncset.done $0x0;
	(pc) =	sbr.rel @p1 .LBB2_1-.Ltmp0, $4  }
0x265: {  	[sflag:s25] =	ssyncadd.s32 $0xFFFF8000  }
0x266: {  	_ =	swait.ge [sflag:s28], $0x8000  }
0x267: {  	[sflag:s28] =	ssyncset.done $0x0  }
0x268: {  	[sflag:s28] =	ssyncadd.s32 $0xFFFF8000  }
0x269: {  	_ =	sfence.sel $0x180000  }
0x26a: {  	[bflag:$0x0] =	sbarrier.arrive $0xFFFF  }
0x26b: {  	_ =	strace $0x90000047  }
0x26c: {  	s0 =	sadd.s32 @!p0 $0x100000, s0;
	[bflag:$0x2] =	sbarrier.arrive $0xFFFF  }
0x26d: {  	[sflag:s0] =	ssyncadd.tile.s32 @!p0 $0x1;
	_ =	shalt  }
.Lfunc_end2:
_tile_overlayer_lowered:
.L_overlay_start_2:
0x26e: {  	(tag) =	ssettag $0x2  }
0x26f: {  	s0 =	rddreg [dreg:$0x0];
	s2 =	stileid.u32  }
0x270: {  	s1 =	rddreg [dreg:$0x1];
	p0 =	sne.s32 s2, $0x0  }
0x271: {  	s3 =	rddreg [dreg:$0x2];
	[bflag:$0x3] =	sbarrier.arrive $0xFFFF;
	s2 =	simm.s32 @!p0 $0x1C05  }
0x272: {  	[timem:s3], [sflag:s2] =	dma.local @!p0 [hbm:s0], s1  }
0x273: {  	s0 =	simm.s32 @!p0 $0x5  }
0x274: {  	_ =	swait.ge @!p0 [sflag:s0], s1  }
0x275: {  	s1 =	ssub.s32 @!p0 $0x0, s1;
	[sflag:s0] =	ssyncset.done @!p0 $0x0  }
0x276: {  	[sflag:s0] =	ssyncadd.s32 @!p0 s1  }
0x277: {  	[bflag:$0x3] =	sbarrier.arrive $0xFFFF  }
0x278: {  	_ =	shalt  }

// kernel: sparse-core-data-format-call.cloned.1.call-start
scs
called_computation_lowered:
.L_overlay_start_0:
0x0: {  	s2 =	sld [smem:$0x3FD9]  }
0x1: {  	s3 =	sld [smem:$0x3FFE];
	_ =	sdelay $0x1  }
0x2: {  	s1 =	srdreg.scid  }
0x3: {  	s0 =	sand.u32 $0x1, s1  }
0x4: {  	s18 =	sshll.u32 s0, $0xA;
	s2 =	sadd.s32 s3, s2  }
0x5: {  	s2 =	sadd.s32 s2, s18  }
0x6: {  	[smem:$0x3FC3] =	sst s2  }
0x7: {  	_ = 	snop  }
0x8: {  	s2 =	sld [smem:$0x3FD0];
	(tm) =	ssettm $0x1  }
0x9: {  	s19 =	sld [smem:$0x3FFB];
	_ =	sdelay $0x3  }
0xa: {  	_ =	strace s19  }
0xb: {  	s3 =	sld [smem:$0x3FFC];
	_ =	sdelay $0x3  }
0xc: {  	_ =	strace s3  }
0xd: {  	s3 =	sld [smem:$0x3FFD];
	_ =	sdelay $0x3  }
0xe: {  	_ =	strace s3  }
0xf: {  	_ =	strace $0x8FFFFFFF  }
0x10: {  	s20 =	sld [smem:$0x3FDB];
	_ =	sdelay $0x1  }
0x11: {  	s4 =	simm.s32 $_scs_section_size  }
0x12: {  	s5 =	simm.s32 $_size__tile_overlayer_lowered;
	s6 =	simm.s32 $_tile_overlayer_lowered  }
0x13: {  	s23 =	simm.s32 $0x1BFF;
	s22 =	sshll.u32 s6, $0x1;
	s3 =	sadd.s32 s4, s20  }
0x14: {  	s7 =	simm.s32 $0x0;
	s21 =	sshll.u32 s5, $0x1;
	s5 =	sadd.s32 s22, s3  }
0x15: {  	[timem:s7], [sflag:s23] =	dma.local [hbm:s5], s21  }
0x16: {  	_ =	swait.ge [sflag:s23], s21  }
0x17: {  	s4 =	ssub.s32 $0x0, s21;
	[sflag:s23] =	ssyncset.done $0x0  }
0x18: {  	[sflag:s23] =	ssyncadd.s32 s4;
	_ =	sdelay $0x1  }
0x19: {  	s24 =	simm.s32 $0x1B8B  }
0x1a: {  	_ =	swait.ge [sflag:s24], $0x1  }
0x1b: {  	[sflag:s24] =	ssyncset.done $0x0  }
0x1c: {  	s26 =	simm.s32 $0x1B8E;
	s25 =	sld [smem:$0x3FFE];
	[sflag:s24] =	ssyncadd.s32 $0xFFFFFFFF  }
0x1d: {  	s27 =	simm.s32 $execute0_lowered;
	[smem:$0x3FD2] =	sst s26  }
0x1e: {  	s5 =	sshll.u32 s27, $0x1;
	_ =	strace $0x80000049;
	[dreg:$0x1] =	wrdreg $0xFFFFFFFF  }
0x1f: {  	s28 =	simm.s32 $_size_execute0_lowered;
	s3 =	sadd.s32 s3, s5;
	[dreg:$0x0] =	wrdreg $0x0  }
0x20: {  	s5 =	sshll.u32 s28, $0x1;
	[dreg:$0x2] =	wrdreg s3  }
0x21: {  	[dreg:$0x3] =	wrdreg s5  }
0x22: {  	[dreg:$0x4] =	wrdreg $0xC0  }
0x23: {  	_ =	task [dreg:s7], $0x5FFFF  }
0x24: {  	[dreg:$0x1] =	wrdreg $0xFFFFFFFF  }
0x25: {  	[dreg:$0x0] =	wrdreg $0x60  }
0x26: {  	[dreg:$0x2] =	wrdreg s25  }
0x27: {  	[dreg:$0x3] =	wrdreg s2  }
0x28: {  	[dreg:$0x4] =	wrdreg $0x9  }
0x29: {  	_ =	task.clear_ibuf [dreg:s7], $0x5FFFF;
	_ =	strace $0x90000049  }
0x2a: {  	s29 =	simm.s32 $0x9;
	_ =	strace $0x8000004B  }
0x2b: {  	_ =	swait.ge [sflag:s29], $0x1  }
0x2c: {  	[sflag:s29] =	ssyncadd.s32 $0xFFFFFFFF  }
0x2d: {  	_ =	strace $0x9000004B  }
0x2e: {  	_ =	sfence  }
0x2f: {  	s30 =	sld [smem:$0x0];
	_ =	sdelay $0x2  }
0x30: {  	s31 =	sshll.u32 s1, $0xD;
	s1 =	sshrl.u32 s1, $0x2  }
0x31: {  	s3 =	sand.u32 $0x4000, s31;
	s1 =	sadd.s32 s1, s30  }
0x32: {  	s0 =	sor.u32 s3, s0;
	s1 =	sshll.u32 s1, $0x11  }
0x33: {  	s0 =	sor.u32 s1, s0  }
0x34: {  	s0 =	sadd.s32 $0x8F2B, s0  }
0x35: {  	[sflag:s0] =	ssyncadd.remote.s32 $0x1  }
0x36: {  	_ =	sfence.sel $0xFFFF  }
0x37: {  	[dreg:$0x0] =	wrdreg $0xFFFFFFFF;
	(pc) =	sbr.abs _section_cstart, $3  }
0x38: {  	[dreg:$0x1] =	wrdreg $0xFFFFFFFF  }
0x39: {  	_ =	task.clear_ibuf [dreg:s7], $0x2FFFF;
	_ =	strace $0x9FFFFFFF  }
0x3a: {  	(tm) =	ssettm $0x7FFFFFFF  }
0x3b: {  	_ =	shalt  }
tec
execute0_lowered:
.L_overlay_start_1:
0x0: {  	(tag) =	ssettag $0x1  }
0x1: {  	s0 =	srdreg.scid;
	s5 =	rddreg [dreg:$0x0]  }
0x2: {  	s3 =	rddreg [dreg:$0x1];
	s1 =	sshll.u32 s0, $0x4  }
0x3: {  	s7 =	simm.s32 $0x1;
	s0 =	stileid.u32;
	s1 =	sand.u32 $0x10, s1  }
0x4: {  	s8 =	simm.s32 $0x2;
	s15 =	simm.s32 $0x0;
	s1 =	sor.u32 s0, s1  }
0x5: {  	s14 =	simm.s32 $0x0;
	s9 =	simm.s32 $0x0;
	s2 =	sshll.u32 s1, $0x7  }
0x6: {  	s10 =	simm.s32 $0x0;
	s11 =	simm.s32 $0x0;
	s6 =	ssub.s32 $0x4000, s2  }
0x7: {  	s13 =	simm.s32 $0x0;
	s5 =	sadd.s32 $0x3000, s5;
	s4 =	sand.u32 $0xF80, s6  }
.Ltmp0:
0x8: {  	s1 =	rddreg [dreg:$0x2];
	p0 =	sne.s32 s4, $0x0;
	(pc) =	sbr.rel .LBB1_1-.Ltmp0, $4  }
0x9: {  	_ =	strace $0x8000004A;
	s6 =	sshrl.u32 s6, $0xC;
	s7 =	simm.s32 @!p0 $0x0  }
0xa: {  	s12 =	smov.u32 s2;
	s4 =	simm.s32 $0x1;
	s6 =	sadd.s32 s7, s6  }
0xb: {  	[sflag:s4] =	ssyncpa.u1 $0x0;
	p0 =	por $0x0, $0x0;
	s6 =	sshll.u32 s6, $0x3  }
0xc: {  	[sflag:s8] =	ssyncpa.u1 $0x0;
	s8 =	simm.s32 $0x20000;
	s7 =	sor.u32 $0x1, s6  }
.LBB1_4:
0xd: {  	s20 =	sshra.s32 s20, $0x2;
	s30 =	sand.u32 $0x78, s10;
	s21 =	sshll.u32 s10, $0x3  }
0xe: {  	v5 =	vld [tilespmem:s17+$0xFFFFFFD0];
	[tilespmem:s18+$0x2040 ss:$0x81] =	vst.msk $0xffff, v4;
	p1 =	sgt.s32 s9, $0x7;
	s22 =	smov.u32 s9;
	s23 =	sshra.s32 s9, $0x1F  }
0xf: {  	v58 =	vld [tilespmem:s17+$0xFFFFFFE0];
	[tilespmem:s18+$0x2850 ss:$0x81] =	vst.msk $0xffff, v3;
	s24 =	sshra.s32 s10, $0x1F;
	s25 =	sshll.u32 s9, $0x7;
	s19 =	sadd.s32 s20, s19  }
0x10: {  	v59 =	vld [tilespmem:s17+$0xFFFFFFF0];
	[tilespmem:s18+$0x3060 ss:$0x81] =	vst.msk $0xffff, v2;
	s21 =	sand.u32 $0x3C00, s21;
	s22 =	simm.s32 @!p1 $0x7;
	s31 =	sand.u32 s23, s9  }
0x11: {  	v60 =	vld [tilespmem:s17+$0x0];
	[tilespmem:s18+$0x0 ss:$0x81] =	vst.msk $0xffff, v1;
	p1 =	sgt.s32 s10, $0x3F80;
	s20 =	sor.u32 s30, s21;
	s21 =	smov.u32 s10  }
0x12: {  	v61 =	vld [tilespmem:s17+$0x10];
	s23 =	ssub.s32 s22, s31;
	[tilespmem:s19+$0x3870 ss:$0x81] =	vst.msk $0xffff, v0;
	s22 =	sand.u32 s24, s10;
	s21 =	simm.s32 @!p1 $0x3F80  }
0x13: {  	v62 =	vld [tilespmem:s17+$0x20];
	s29 =	sand.u32 $0x3800, s10;
	s18 =	ssub.s32 $0x8, s23;
	s21 =	ssub.s32 s21, s22;
	[tilespmem:s19+$0x810 ss:$0x81] =	vst.msk $0xffff, v5  }
0x14: {  	v63 =	vld [tilespmem:s17+$0xFFFFFFC0];
	s26 =	sadd.s32 $0xFFFFFFF9, s23;
	s17 =	smul.u32 $0x41, s18;
	[tilespmem:s19+$0x1020 ss:$0x81] =	vst.msk $0xffff, v58;
	s27 =	sadd.s32 $0xFFFFC080, s21  }
0x15: {  	p1 =	sgt.s32 s26, $0x0;
	[tilespmem:s19+$0x1830 ss:$0x81] =	vst.msk $0xffff, v59;
	s21 =	ssub.s32 $0x4000, s21;
	p2 =	sgt.s32 s27, $0x7F  }
0x16: {  	s28 =	sand.u32 $0x380, s25;
	[tilespmem:s19+$0x2040 ss:$0x81] =	vst.msk $0xffff, v60;
	s17 =	simm.s32 @p1 $0x0;
	s21 =	simm.s32 @p2 $0x0  }
0x17: {  	s30 =	sand.u32 $0x7, s10;
	s18 =	sor.u32 s28, s20;
	[tilespmem:s19+$0x2850 ss:$0x81] =	vst.msk $0xffff, v61;
	s17 =	smul.u32 s21, s17  }
0x18: {  	s20 =	sadd.s32 s3, s29;
	[tilespmem:s19+$0x3060 ss:$0x81] =	vst.msk $0xffff, v62;
	s18 =	sshrl.u32 s18, $0x3;
	s21 =	sshll.u32 s30, $0x12  }
0x19: {  	[tilespmem:s19+$0x0 ss:$0x81] =	vst.msk $0xffff, v63;
	s18 =	sadd.s32 s18, s20;
	s31 =	sor.u32 $0x80, s21;
	s17 =	sand.u32 $0x3FFFFFFF, s17  }
0x1a: {  	[hbm4b:s18+s31] =	stream.strided.scatter [tilespmem:s16], [sflag:$0x2], s17, s8, s31, $0x20;
	[tilespmem:$0x10100] =	vst v63  }
.LBB1_5:
0x1b: {  	p1 =	slt.u32 s13, $0x2  }
0x1c: {  	s17 =	smov.u32 s15;
	p2 =	sgt.s32 @!p1 s15, $0x7;
	s16 =	sshra.s32 @!p1 s15, $0x1F  }
0x1d: {  	p3 =	sgt.s32 @!p1 s14, $0x3F80;
	s18 =	sshra.s32 @!p1 s14, $0x1F;
	p2 =	por !p2, p1  }
0x1e: {  	s15 =	sand.u32 @!p1 s16, s15;
	p3 =	por !p3, p1;
	s16 =	smov.u32 s14  }
0x1f: {  	s14 =	sand.u32 @!p1 s18, s14;
	s17 =	simm.s32 @p2 $0x7;
	s16 =	simm.s32 @p3 $0x3F80  }
0x20: {  	s18 =	smov.u32 s12;
	s15 =	ssub.s32 @!p1 s17, s15;
	s14 =	ssub.s32 @!p1 s16, s14  }
0x21: {  	s16 =	sadd.s32 @!p1 $0xFFFFFFF9, s15;
	s15 =	ssub.s32 @!p1 $0x8, s15;
	s17 =	sadd.s32 @!p1 $0xFFFFC080, s14  }
0x22: {  	p2 =	sgt.s32 @!p1 s16, $0x0;
	s15 =	smul.u32 @!p1 $0x41, s15;
	p3 =	sgt.s32 @!p1 s17, $0x7F  }
0x23: {  	s14 =	ssub.s32 @!p1 $0x4000, s14;
	p2 =	por !p2, p1;
	p3 =	por !p3, p1  }
0x24: {  	s16 =	sadd.s32 $0x1, s11;
	s15 =	simm.s32 @!p2 $0x0;
	s14 =	simm.s32 @!p3 $0x0  }
0x25: {  	p2 =	sgt.s32 s16, $0x7;
	s14 =	smul.u32 @!p1 s14, s15;
	s15 =	sadd.s32 $0x1000, s12  }
0x26: {  	s18 =	smov.u32 @p2 s15  }
0x27: {  	s16 =	simm.s32 @p2 $0x0;
	p2 =	sgt.s32 s18, $0x3FFF  }
0x28: {  	s18 =	smov.u32 @p2 s2;
	p2 =	sne.s32 s13, s7  }
.Ltmp1:
0x29: {  	p0 =	por !p0, !p0;
	s17 =	simm.s32 @!p1 $0x2;
	(pc) =	sbr.rel @!p2 .LBB1_6-.Ltmp1, $4  }
0x2a: {  	s15 =	smov.u32 s9;
	s9 =	smov.u32 s11;
	s14 =	sand.u32 @!p1 $0x3FFFFFFF, s14  }
0x2b: {  	s11 =	smov.u32 s16;
	_ =	swait.ge @!p1 [sflag:s17], s14;
	s19 =	ssub.s32 @!p1 $0x0, s14  }
0x2c: {  	s14 =	smov.u32 s10;
	s13 =	sadd.s32 $0x1, s13;
	[sflag:s17] =	ssyncset.done @!p1 $0x0  }
0x2d: {  	s10 =	smov.u32 s12;
	s12 =	smov.u32 s18;
	[sflag:s17] =	ssyncadd.s32 @!p1 s19  }
.LBB1_1:
0x2e: {  	p1 =	sge.u32 s13, s6  }
0x2f: {  	s31 =	sadd.s32 $0xFFFFFFFF, s13;
	s16 =	sxor.u32 @!p1 $0xFFFFFFFF, s13  }
0x30: {  	s17 =	sshll.u32 @!p1 s12, $0x7;
	s18 =	sshll.u32 @!p1 s11, $0x4;
	s19 =	simm.s32 @!p1 $0x400  }
0x31: {  	s16 =	sshll.u32 @!p1 s16, $0xE;
	s18 =	sand.u32 @!p1 $0x70, s18;
	s17 =	sadd.s32 @!p1 s5, s17  }
0x32: {  	s16 =	sand.u32 @!p1 $0x4000, s16;
	s17 =	sadd.s32 @!p1 s18, s17;
	s18 =	simm.s32 @!p1 $0x80  }
0x33: {  	[tilespmem:s16], [sflag:$0x1] =	stream.strided.gather @!p1 [hbm4b:s17+s18], $0x4000, s19, s18, $0x38;
	[tilespmem:$0x10100] =	vst v63  }
0x34: {  	p1 =	sge.u32 s31, s6  }
.Ltmp2:
0x35: {  	_ = 	snop;
	(pc) =	sbr.rel @p1 .LBB1_5-.Ltmp2, $1  }
0x36: {  	_ =	sdelay $0x3  }
0x37: {  	s16 =	simm.s32 $0x1  }
0x38: {  	_ =	swait.ge [sflag:s4], $0x4000;
	s16 =	simm.s32 @!p0 $0x0  }
0x39: {  	[sflag:s4] =	ssyncset.done $0x0;
	s17 =	sshll.u32 s16, $0xE  }
0x3a: {  	[sflag:s4] =	ssyncadd.s32 $0xFFFFC000;
	s17 =	sor.u32 $0x40, s17  }
0x3b: {  	s16 =	smul.u32 $0x10200, s16;
	v0 =	vld [tilespmem:s17+$0x30]  }
0x3c: {  	v1 =	vld [tilespmem:s17+$0xFFFFFFD0]  }
0x3d: {  	s16 =	sshrl.u32 s16, $0x2;
	v5 =	vld [tilespmem:s17+$0xFFFFFFE0]  }
0x3e: {  	v6 =	vld [tilespmem:s17+$0xFFFFFFF0];
	s19 =	sor.u32 $0x8000, s16  }
0x3f: {  	s31 =	sand.u32 $0x1, s13;
	v4 =	vld [tilespmem:s17+$0x0];
	s18 =	sadd.s32 $0x0, s19  }
0x40: {  	v3 =	vld [tilespmem:s17+$0x10];
	s16 =	smul.u32 $0x10200, s31;
	[tilespmem:s18+$0x3870 ss:$0x81] =	vst.msk $0xffff, v0  }
0x41: {  	v2 =	vld [tilespmem:s17+$0x20];
	[tilespmem:s18+$0x810 ss:$0x81] =	vst.msk $0xffff, v1  }
0x42: {  	s16 =	sshrl.u32 s16, $0x2;
	v1 =	vld [tilespmem:s17+$0xFFFFFFC0];
	[tilespmem:s18+$0x1020 ss:$0x81] =	vst.msk $0xffff, v5;
	s17 =	sadd.s32 $0x80, s17  }
0x43: {  	s20 =	simm.s32 $0x4;
	s21 =	simm.s32 $0x8;
	s16 =	sor.u32 $0x8000, s16;
	[tilespmem:s18+$0x1830 ss:$0x81] =	vst.msk $0xffff, v6;
	v0 =	vld [tilespmem:s17+$0x30]  }
.LBB1_3:
0x44: {  	p1 =	sne.s32 s21, $0x1FC;
	v5 =	vld [tilespmem:s17+$0xFFFFFFD0];
	[tilespmem:s18+$0x2040 ss:$0x81] =	vst.msk $0xffff, v4  }
0x45: {  	v6 =	vld [tilespmem:s17+$0xFFFFFFE0];
	[tilespmem:s18+$0x2850 ss:$0x81] =	vst.msk $0xffff, v3  }
0x46: {  	s22 =	sshra.s32 s20, $0x2;
	s20 =	smov.u32 s21;
	v7 =	vld [tilespmem:s17+$0xFFFFFFF0];
	[tilespmem:s18+$0x3060 ss:$0x81] =	vst.msk $0xffff, v2  }
.Ltmp3:
0x47: {  	v4 =	vld [tilespmem:s17+$0x0];
	[tilespmem:s18+$0x0 ss:$0x81] =	vst.msk $0xffff, v1;
	s18 =	sadd.s32 s22, s19;
	(pc) =	sbr.rel @p1 .LBB1_3-.Ltmp3, $4  }
0x48: {  	v3 =	vld [tilespmem:s17+$0x10];
	[tilespmem:s18+$0x3870 ss:$0x81] =	vst.msk $0xffff, v0  }
0x49: {  	[tilespmem:s18+$0x810 ss:$0x81] =	vst.msk $0xffff, v5;
	v2 =	vld [tilespmem:s17+$0x20]  }
0x4a: {  	v1 =	vld [tilespmem:s17+$0xFFFFFFC0];
	[tilespmem:s18+$0x1020 ss:$0x81] =	vst.msk $0xffff, v6;
	s17 =	sadd.s32 $0x80, s17  }
0x4b: {  	s21 =	sadd.s32 $0x4, s21;
	v0 =	vld [tilespmem:s17+$0x30];
	[tilespmem:s18+$0x1830 ss:$0x81] =	vst.msk $0xffff, v7  }
.Ltmp4:
0x4c: {  	_ = 	snop;
	(pc) =	sbr.rel .LBB1_4-.Ltmp4, $1  }
0x4d: {  	_ =	sdelay $0x3  }
.LBB1_6:
0x4e: {  	_ =	sfence.sel $0x180000  }
0x4f: {  	s2 =	simm.s32 $0x1;
	[bflag:$0x0] =	sbarrier.arrive $0xFFFF  }
0x50: {  	s31 =	simm.s32 $0x2;
	[sflag:s2] =	ssyncpa.u1 $0x1  }
0x51: {  	[sflag:s31] =	ssyncpa.u1 $0x1  }
0x52: {  	p0 =	sne.s32 s0, $0x0;
	_ =	strace $0x9000004A  }
0x53: {  	s0 =	sadd.s32 @!p0 $0x100000, s1;
	[bflag:$0x2] =	sbarrier.arrive $0xFFFF  }
0x54: {  	[sflag:s0] =	ssyncadd.tile.s32 @!p0 $0x1;
	_ =	shalt  }
.Lfunc_end1:
_tile_overlayer_lowered:
.L_overlay_start_2:
0x55: {  	(tag) =	ssettag $0x2  }
0x56: {  	s0 =	rddreg [dreg:$0x0];
	s2 =	stileid.u32  }
0x57: {  	s1 =	rddreg [dreg:$0x1];
	p0 =	sne.s32 s2, $0x0  }
0x58: {  	s3 =	rddreg [dreg:$0x2];
	[bflag:$0x3] =	sbarrier.arrive $0xFFFF;
	s2 =	simm.s32 @!p0 $0x1C01  }
0x59: {  	[timem:s3], [sflag:s2] =	dma.local @!p0 [hbm:s0], s1  }
0x5a: {  	s0 =	simm.s32 @!p0 $0x1  }
0x5b: {  	_ =	swait.ge @!p0 [sflag:s0], s1  }
0x5c: {  	s1 =	ssub.s32 @!p0 $0x0, s1;
	[sflag:s0] =	ssyncset.done @!p0 $0x0  }
0x5d: {  	[sflag:s0] =	ssyncadd.s32 @!p0 s1  }
0x5e: {  	[bflag:$0x3] =	sbarrier.arrive $0xFFFF  }
0x5f: {  	_ =	shalt  }

</sc_bundles>
